<compile_context>
chip_gen: v7x
topology: tpu7x:2x2x1
jax: 0.10.2.dev20260603
libtpu: 0.0.44.dev20260713+nightly
codegen_flags: <defaults>
</compile_context>

<pallas_src>
import functools

import jax
import jax.numpy as jnp
from jax import lax
from jax.experimental import pallas as pl
from jax.experimental.pallas import tpu as pltpu, tpu_sc as plsc

_LANES = 16
_W = 16


def _round_up(x, m):
    return (x + m - 1) // m * m


@functools.partial(jax.jit, static_argnames=())
def _sc_gather(b_idx, l_idx, x_idx, boxes_t, scores2d):
    info = plsc.get_sparse_core_info()
    nw = info.num_cores * info.num_subcores
    padded = b_idx.shape[0]
    chunk = padded // nw
    n_grp = chunk // _LANES
    n_batch = boxes_t.shape[0]

    mesh = plsc.VectorSubcoreMesh(core_axis_name="c", subcore_axis_name="s")

    @functools.partial(
        pl.kernel,
        mesh=mesh,
        out_type=jax.ShapeDtypeStruct((8, padded), jnp.float32),
        compiler_params=pltpu.CompilerParams(needs_layout_passes=False),
        scratch_types=[
            pltpu.VMEM((chunk,), jnp.int32),
            pltpu.VMEM((chunk,), jnp.int32),
            pltpu.VMEM((chunk,), jnp.int32),
            pltpu.VMEM((_LANES, 8, 128), jnp.float32),
            pltpu.VMEM((_LANES, 8, 128), jnp.float32),
            pltpu.VMEM((_LANES, 4, 128), jnp.float32),
            pltpu.VMEM((_LANES, 4, 128), jnp.float32),
            pltpu.VMEM((8, chunk), jnp.float32),
            pltpu.SemaphoreType.DMA,
        ],
    )
    def body(b_hbm, l_hbm, x_hbm, boxes_hbm, scores_hbm, out_hbm,
             b_v, l_v, x_v, sw0_v, sw1_v, bw0_v, bw1_v, out_v, sem):
        sw_refs = (sw0_v, sw1_v)
        bw_refs = (bw0_v, bw1_v)
        wid = lax.axis_index("s") * info.num_cores + lax.axis_index("c")
        base = wid * chunk

        pltpu.sync_copy(b_hbm.at[pl.ds(base, chunk)], b_v)
        pltpu.sync_copy(l_hbm.at[pl.ds(base, chunk)], l_v)
        pltpu.sync_copy(x_hbm.at[pl.ds(base, chunk)], x_v)

        lane16 = lax.iota(jnp.int32, _LANES)

        def fire(g, slot):
            off = g * _LANES
            b16 = b_v[pl.ds(off, _LANES)]
            l16 = l_v[pl.ds(off, _LANES)]
            x16 = x_v[pl.ds(off, _LANES)]
            row16 = l16 * n_batch + b16
            rowa16 = lax.bitwise_and(row16, ~7)
            xa16 = lax.bitwise_and(x16, ~127)
            copies = []
            for k in range(_LANES):
                b = b16[k]
                rowa = pl.multiple_of(rowa16[k], 8)
                xa = pl.multiple_of(xa16[k], 128)
                copies.append(pltpu.async_copy(
                    scores_hbm.at[pl.ds(rowa, 8), pl.ds(xa, 128)],
                    sw_refs[slot].at[k], sem))
                copies.append(pltpu.async_copy(
                    boxes_hbm.at[b, :, pl.ds(xa, 128)],
                    bw_refs[slot].at[k], sem))
            out_v[0, pl.ds(off, _LANES)] = b16.astype(jnp.float32)
            out_v[6, pl.ds(off, _LANES)] = l16.astype(jnp.float32)
            return copies, b16, l16, x16, row16

        def extract(g, slot, copies, l16, x16, row16):
            off = g * _LANES
            for c in copies:
                c.wait()
            col = lax.bitwise_and(x16, 127)
            subrow = lax.bitwise_and(row16, 7)
            out_v[5, pl.ds(off, _LANES)] = plsc.load_gather(
                sw_refs[slot], [lane16, subrow, col])
            for c in range(4):
                cc = jnp.full((_LANES,), c, jnp.int32)
                out_v[1 + c, pl.ds(off, _LANES)] = plsc.load_gather(
                    bw_refs[slot], [lane16, cc, col])

        def group(g, carry):
            ca, _, la, xa_, ra = fire(g, 0)
            extract(g, 0, ca, la, xa_, ra)
            return carry

        lax.fori_loop(0, n_grp, group, 0)

        pltpu.sync_copy(out_v, out_hbm.at[:, pl.ds(base, chunk)])

    return body(b_idx, l_idx, x_idx, boxes_t, scores2d)


def kernel(pred_boxes, pred_scores, selected_indexes):
    n_batch, n_anchors, n_box = pred_boxes.shape
    n_labels = pred_scores.shape[-1]
    n_rows = selected_indexes.shape[0]

    nw = 32
    padded = _round_up(n_rows, nw * _LANES)
    si = jnp.pad(selected_indexes, ((0, padded - n_rows), (0, 0)))
    b_idx = si[:, 0]
    l_idx = si[:, 1]
    x_idx = si[:, 2]

    scores2d = jnp.transpose(pred_scores, (2, 0, 1)).reshape(
        n_labels * n_batch, n_anchors)
    boxes_t = jnp.transpose(pred_boxes, (0, 2, 1))

    out_t = _sc_gather(b_idx, l_idx, x_idx, boxes_t, scores2d)
    return out_t[:7, :n_rows].T

# --- scband reference (transcript-rebuilt; emitter-appended) ---
"""Pipeline reference for scband-pick-nmspredictions-and-return-as-flat-result-16406775071467 (READ-ONLY COPY).

The authoritative reference and input builder live on the scoring server;
editing this copy changes nothing except your own understanding.
"""

import jax, jax.numpy as jnp
import numpy as np


def setup_inputs(seed: int = 0) -> dict:
    key = jax.random.key(seed)
    k1, k2, k3 = jax.random.split(key, 3)
    pred_boxes = jax.random.uniform(k1, (32, 20000, 4), dtype=jnp.float32)
    pred_scores = jax.random.uniform(k2, (32, 20000, 91), dtype=jnp.float32)
    # columns: [batch_index, label_index, box_index]; fill_max=32 keeps every
    # column in-range (batch<32, label<91, box<20000)
    selected_indexes = jax.random.randint(k3, (16000, 3), 0, 32, dtype=jnp.int32)
    return {
        "pred_boxes": pred_boxes,
        "pred_scores": pred_scores,
        "selected_indexes": selected_indexes,
    }


def reference(pred_boxes, pred_scores, selected_indexes):
    batch_indexes = selected_indexes[:, 0]
    label_indexes = selected_indexes[:, 1]
    boxes_indexes = selected_indexes[:, 2]
    # gather [num_selected, 4] boxes via (batch, box) fancy indexing
    selected_boxes = pred_boxes[batch_indexes, boxes_indexes]
    # gather [num_selected] scores via (batch, box, label) fancy indexing
    selected_scores = pred_scores[batch_indexes, boxes_indexes, label_indexes]
    flat = jnp.concatenate(
        [
            batch_indexes[:, None].astype(selected_boxes.dtype),
            selected_boxes,
            selected_scores[:, None],
            label_indexes[:, None].astype(selected_boxes.dtype),
        ],
        axis=1,
    )
    return flat

if __name__ == "__main__":
    import jax
    _d = setup_inputs()
    print(jax.jit(kernel)(*tuple(_d.values())))

</pallas_src>

<mosaic_0001>
#map = affine_map<(d0, d1) -> (0)>
#map1 = affine_map<(d0, d1) -> (0, 0, 0)>
#map2 = affine_map<(d0, d1) -> (0, 0)>
module attributes {stable_mosaic.version = 14 : i64} {
  func.func @body(%arg0: i32, %arg1: i32, %arg2: memref<16384xi32, #tpu.memory_space<hbm>>, %arg3: memref<16384xi32, #tpu.memory_space<hbm>>, %arg4: memref<16384xi32, #tpu.memory_space<hbm>>, %arg5: memref<32x4x20000xf32, #tpu.memory_space<hbm>>, %arg6: memref<2912x20000xf32, #tpu.memory_space<hbm>>, %arg7: memref<8x16384xf32, #tpu.memory_space<hbm>>, %arg8: memref<512xi32, #tpu.memory_space<vmem>>, %arg9: memref<512xi32, #tpu.memory_space<vmem>>, %arg10: memref<512xi32, #tpu.memory_space<vmem>>, %arg11: memref<16x8x128xf32, #tpu.memory_space<vmem>>, %arg12: memref<16x8x128xf32, #tpu.memory_space<vmem>>, %arg13: memref<16x4x128xf32, #tpu.memory_space<vmem>>, %arg14: memref<16x4x128xf32, #tpu.memory_space<vmem>>, %arg15: memref<8x512xf32, #tpu.memory_space<vmem>>, %arg16: memref<!tpu.dma_semaphore, #tpu.memory_space<semaphore_mem>>) attributes {dimension_semantics = [#tpu.dimension_semantics<core_parallel>, #tpu.dimension_semantics<subcore_parallel>], iteration_bounds = array<i64: 2, 16>, scalar_prefetch = 0 : i64, scratch_operands = 9 : i64, tpu.core_type = #tpu.core_type<sc_vector_subcore>, window_params = [{transform_indices = #map}, {transform_indices = #map}, {transform_indices = #map}, {transform_indices = #map1}, {transform_indices = #map2}, {transform_indices = #map2}]} {
    %mul3A = arith.constant 2 : i32
    %mul3A_0 = arith.muli %arg1, %mul3A : i32
    %add3A = arith.addi %mul3A_0, %arg0 : i32
    %mul3A_1 = arith.constant 512 : i32
    %mul3A_2 = arith.muli %add3A, %mul3A_1 : i32
    "tpu.region"() ({
      %run_scoped3A = tpu.sem_alloc : memref<!tpu.dma_semaphore, #tpu.memory_space<semaphore_mem>>
      %dma_start3A = tpu.memref_slice %arg2[%mul3A_2] : memref<16384xi32, #tpu.memory_space<hbm>> -> memref<512xi32, #tpu.memory_space<hbm>>
      %dma_start3A_8 = tpu.memref_slice %arg2[%mul3A_2] : memref<16384xi32, #tpu.memory_space<hbm>> -> memref<512xi32, #tpu.memory_space<hbm>>
      tpu.enqueue_dma source(%dma_start3A_8 : memref<512xi32, #tpu.memory_space<hbm>>) target(%arg8 : memref<512xi32, #tpu.memory_space<vmem>>) target_semaphore(%run_scoped3A : memref<!tpu.dma_semaphore, #tpu.memory_space<semaphore_mem>>)
      %dma_wait3A = tpu.memref_slice %arg2[%mul3A_2] : memref<16384xi32, #tpu.memory_space<hbm>> -> memref<512xi32, #tpu.memory_space<hbm>>
      %dma_wait3A_9 = tpu.memref_slice %arg2[%mul3A_2] : memref<16384xi32, #tpu.memory_space<hbm>> -> memref<512xi32, #tpu.memory_space<hbm>>
      tpu.wait_dma2 semaphore(%run_scoped3A : memref<!tpu.dma_semaphore, #tpu.memory_space<semaphore_mem>>) src(%dma_wait3A_9 : memref<512xi32, #tpu.memory_space<hbm>>) dst(%arg8 : memref<512xi32, #tpu.memory_space<vmem>>)
      tpu.yield
    }) : () -> ()
    "tpu.region"() ({
      %run_scoped3A = tpu.sem_alloc : memref<!tpu.dma_semaphore, #tpu.memory_space<semaphore_mem>>
      %dma_start3A = tpu.memref_slice %arg3[%mul3A_2] : memref<16384xi32, #tpu.memory_space<hbm>> -> memref<512xi32, #tpu.memory_space<hbm>>
      %dma_start3A_8 = tpu.memref_slice %arg3[%mul3A_2] : memref<16384xi32, #tpu.memory_space<hbm>> -> memref<512xi32, #tpu.memory_space<hbm>>
      tpu.enqueue_dma source(%dma_start3A_8 : memref<512xi32, #tpu.memory_space<hbm>>) target(%arg9 : memref<512xi32, #tpu.memory_space<vmem>>) target_semaphore(%run_scoped3A : memref<!tpu.dma_semaphore, #tpu.memory_space<semaphore_mem>>)
      %dma_wait3A = tpu.memref_slice %arg3[%mul3A_2] : memref<16384xi32, #tpu.memory_space<hbm>> -> memref<512xi32, #tpu.memory_space<hbm>>
      %dma_wait3A_9 = tpu.memref_slice %arg3[%mul3A_2] : memref<16384xi32, #tpu.memory_space<hbm>> -> memref<512xi32, #tpu.memory_space<hbm>>
      tpu.wait_dma2 semaphore(%run_scoped3A : memref<!tpu.dma_semaphore, #tpu.memory_space<semaphore_mem>>) src(%dma_wait3A_9 : memref<512xi32, #tpu.memory_space<hbm>>) dst(%arg9 : memref<512xi32, #tpu.memory_space<vmem>>)
      tpu.yield
    }) : () -> ()
    "tpu.region"() ({
      %run_scoped3A = tpu.sem_alloc : memref<!tpu.dma_semaphore, #tpu.memory_space<semaphore_mem>>
      %dma_start3A = tpu.memref_slice %arg4[%mul3A_2] : memref<16384xi32, #tpu.memory_space<hbm>> -> memref<512xi32, #tpu.memory_space<hbm>>
      %dma_start3A_8 = tpu.memref_slice %arg4[%mul3A_2] : memref<16384xi32, #tpu.memory_space<hbm>> -> memref<512xi32, #tpu.memory_space<hbm>>
      tpu.enqueue_dma source(%dma_start3A_8 : memref<512xi32, #tpu.memory_space<hbm>>) target(%arg10 : memref<512xi32, #tpu.memory_space<vmem>>) target_semaphore(%run_scoped3A : memref<!tpu.dma_semaphore, #tpu.memory_space<semaphore_mem>>)
      %dma_wait3A = tpu.memref_slice %arg4[%mul3A_2] : memref<16384xi32, #tpu.memory_space<hbm>> -> memref<512xi32, #tpu.memory_space<hbm>>
      %dma_wait3A_9 = tpu.memref_slice %arg4[%mul3A_2] : memref<16384xi32, #tpu.memory_space<hbm>> -> memref<512xi32, #tpu.memory_space<hbm>>
      tpu.wait_dma2 semaphore(%run_scoped3A : memref<!tpu.dma_semaphore, #tpu.memory_space<semaphore_mem>>) src(%dma_wait3A_9 : memref<512xi32, #tpu.memory_space<hbm>>) dst(%arg10 : memref<512xi32, #tpu.memory_space<vmem>>)
      tpu.yield
    }) : () -> ()
    %iota3A = tpu.iota {dimensions = array<i32: 0>} : vector<16xi32>
    %scan3A = arith.constant 0 : i32
    %scan3A_3 = arith.constant 0 : i32
    %scan3A_4 = arith.constant 32 : i32
    %scan3A_5 = arith.addi %scan3A_3, %scan3A_4 : i32
    %scan3A_6 = arith.constant 1 : i32
    scf.for %scan3A_8 = %scan3A_3 to %scan3A_5 step %scan3A_6  : i32 {
      %mul3A_9 = arith.constant 16 : i32
      %mul3A_10 = arith.muli %scan3A_8, %mul3A_9 : i32
      %get3A = arith.index_cast %mul3A_10 : i32 to index
      %get3A_11 = tpu.vector_load %arg8[%get3A] {strides = array<i32>} : memref<512xi32, #tpu.memory_space<vmem>>, vector<16xi32>,
      %get3A_12 = arith.index_cast %mul3A_10 : i32 to index
      %get3A_13 = tpu.vector_load %arg9[%get3A_12] {strides = array<i32>} : memref<512xi32, #tpu.memory_space<vmem>>, vector<16xi32>,
      %get3A_14 = arith.index_cast %mul3A_10 : i32 to index
      %get3A_15 = tpu.vector_load %arg10[%get3A_14] {strides = array<i32>} : memref<512xi32, #tpu.memory_space<vmem>>, vector<16xi32>,
      %mul3A_16 = arith.constant 32 : i32
      %mul3A_17 = vector.broadcast %mul3A_16 : i32 to vector<16xi32>
      %mul3A_18 = arith.muli %get3A_13, %mul3A_17 : vector<16xi32>
      %add3A_19 = arith.addi %mul3A_18, %get3A_11 : vector<16xi32>
      %and3A = arith.constant -8 : i32
      %and3A_20 = vector.broadcast %and3A : i32 to vector<16xi32>
      %and3A_21 = arith.andi %add3A_19, %and3A_20 : vector<16xi32>
      %and3A_22 = arith.constant -128 : i32
      %and3A_23 = vector.broadcast %and3A_22 : i32 to vector<16xi32>
      %and3A_24 = arith.andi %get3A_15, %and3A_23 : vector<16xi32>
      %slice3A = vector.extract_strided_slice %get3A_11 {offsets = [0], sizes = [1], strides = [1]} : vector<16xi32> to vector<1xi32>
      %squeeze3A = vector.extract %slice3A[0] : i32 from vector<1xi32>
      %slice3A_25 = vector.extract_strided_slice %and3A_21 {offsets = [0], sizes = [1], strides = [1]} : vector<16xi32> to vector<1xi32>
      %squeeze3A_26 = vector.extract %slice3A_25[0] : i32 from vector<1xi32>
      %multiple_of3A = tpu.assume_multiple %squeeze3A_26, 8 : i32
      %slice3A_27 = vector.extract_strided_slice %and3A_24 {offsets = [0], sizes = [1], strides = [1]} : vector<16xi32> to vector<1xi32>
      %squeeze3A_28 = vector.extract %slice3A_27[0] : i32 from vector<1xi32>
      %multiple_of3A_29 = tpu.assume_multiple %squeeze3A_28, 128 : i32
      %dma_start3A = arith.constant 0 : i32
      %dma_start3A_30 = arith.constant 0 : i32
      %dma_start3A_31 = arith.constant 0 : i32
      %dma_start3A_32 = tpu.memref_slice %arg11[%dma_start3A, %dma_start3A_30, %dma_start3A_31] : memref<16x8x128xf32, #tpu.memory_space<vmem>> -> memref<1x8x128xf32, #tpu.memory_space<vmem>>
      %dma_start3A_33 = tpu.memref_squeeze %dma_start3A_32 : memref<1x8x128xf32, #tpu.memory_space<vmem>> -> memref<8x128xf32, #tpu.memory_space<vmem>>
      %dma_start3A_34 = tpu.memref_slice %arg6[%multiple_of3A, %multiple_of3A_29] : memref<2912x20000xf32, #tpu.memory_space<hbm>> -> memref<8x128xf32, #tpu.memory_space<hbm>>
      %dma_start3A_35 = arith.constant 0 : i32
      %dma_start3A_36 = arith.constant 0 : i32
      %dma_start3A_37 = tpu.memref_slice %arg11[%dma_start3A, %dma_start3A_35, %dma_start3A_36] : memref<16x8x128xf32, #tpu.memory_space<vmem>> -> memref<1x8x128xf32, #tpu.memory_space<vmem>>
      %dma_start3A_38 = tpu.memref_squeeze %dma_start3A_37 : memref<1x8x128xf32, #tpu.memory_space<vmem>> -> memref<8x128xf32, #tpu.memory_space<vmem>>
      %dma_start3A_39 = tpu.memref_slice %arg6[%multiple_of3A, %multiple_of3A_29] : memref<2912x20000xf32, #tpu.memory_space<hbm>> -> memref<8x128xf32, #tpu.memory_space<hbm>>
      tpu.enqueue_dma source(%dma_start3A_39 : memref<8x128xf32, #tpu.memory_space<hbm>>) target(%dma_start3A_38 : memref<8x128xf32, #tpu.memory_space<vmem>>) target_semaphore(%arg16 : memref<!tpu.dma_semaphore, #tpu.memory_space<semaphore_mem>>)
      %dma_start3A_40 = arith.constant 0 : i32
      %dma_start3A_41 = arith.constant 0 : i32
      %dma_start3A_42 = arith.constant 0 : i32
      %dma_start3A_43 = tpu.memref_slice %arg13[%dma_start3A_40, %dma_start3A_41, %dma_start3A_42] : memref<16x4x128xf32, #tpu.memory_space<vmem>> -> memref<1x4x128xf32, #tpu.memory_space<vmem>>
      %dma_start3A_44 = tpu.memref_squeeze %dma_start3A_43 : memref<1x4x128xf32, #tpu.memory_space<vmem>> -> memref<4x128xf32, #tpu.memory_space<vmem>>
      %dma_start3A_45 = arith.constant 0 : i32
      %dma_start3A_46 = tpu.memref_slice %arg5[%squeeze3A, %dma_start3A_45, %multiple_of3A_29] : memref<32x4x20000xf32, #tpu.memory_space<hbm>> -> memref<1x4x128xf32, #tpu.memory_space<hbm>>
      %dma_start3A_47 = tpu.memref_squeeze %dma_start3A_46 : memref<1x4x128xf32, #tpu.memory_space<hbm>> -> memref<4x128xf32, #tpu.memory_space<hbm>>
      %dma_start3A_48 = arith.constant 0 : i32
      %dma_start3A_49 = arith.constant 0 : i32
      %dma_start3A_50 = tpu.memref_slice %arg13[%dma_start3A_40, %dma_start3A_48, %dma_start3A_49] : memref<16x4x128xf32, #tpu.memory_space<vmem>> -> memref<1x4x128xf32, #tpu.memory_space<vmem>>
      %dma_start3A_51 = tpu.memref_squeeze %dma_start3A_50 : memref<1x4x128xf32, #tpu.memory_space<vmem>> -> memref<4x128xf32, #tpu.memory_space<vmem>>
      %dma_start3A_52 = arith.constant 0 : i32
      %dma_start3A_53 = tpu.memref_slice %arg5[%squeeze3A, %dma_start3A_52, %multiple_of3A_29] : memref<32x4x20000xf32, #tpu.memory_space<hbm>> -> memref<1x4x128xf32, #tpu.memory_space<hbm>>
      %dma_start3A_54 = tpu.memref_squeeze %dma_start3A_53 : memref<1x4x128xf32, #tpu.memory_space<hbm>> -> memref<4x128xf32, #tpu.memory_space<hbm>>
      tpu.enqueue_dma source(%dma_start3A_54 : memref<4x128xf32, #tpu.memory_space<hbm>>) target(%dma_start3A_51 : memref<4x128xf32, #tpu.memory_space<vmem>>) target_semaphore(%arg16 : memref<!tpu.dma_semaphore, #tpu.memory_space<semaphore_mem>>)
      %slice3A_55 = vector.extract_strided_slice %get3A_11 {offsets = [1], sizes = [1], strides = [1]} : vector<16xi32> to vector<1xi32>
      %squeeze3A_56 = vector.extract %slice3A_55[0] : i32 from vector<1xi32>
      %slice3A_57 = vector.extract_strided_slice %and3A_21 {offsets = [1], sizes = [1], strides = [1]} : vector<16xi32> to vector<1xi32>
      %squeeze3A_58 = vector.extract %slice3A_57[0] : i32 from vector<1xi32>
      %multiple_of3A_59 = tpu.assume_multiple %squeeze3A_58, 8 : i32
      %slice3A_60 = vector.extract_strided_slice %and3A_24 {offsets = [1], sizes = [1], strides = [1]} : vector<16xi32> to vector<1xi32>
      %squeeze3A_61 = vector.extract %slice3A_60[0] : i32 from vector<1xi32>
      %multiple_of3A_62 = tpu.assume_multiple %squeeze3A_61, 128 : i32
      %dma_start3A_63 = arith.constant 1 : i32
      %dma_start3A_64 = arith.constant 0 : i32
      %dma_start3A_65 = arith.constant 0 : i32
      %dma_start3A_66 = tpu.memref_slice %arg11[%dma_start3A_63, %dma_start3A_64, %dma_start3A_65] : memref<16x8x128xf32, #tpu.memory_space<vmem>> -> memref<1x8x128xf32, #tpu.memory_space<vmem>>
      %dma_start3A_67 = tpu.memref_squeeze %dma_start3A_66 : memref<1x8x128xf32, #tpu.memory_space<vmem>> -> memref<8x128xf32, #tpu.memory_space<vmem>>
      %dma_start3A_68 = tpu.memref_slice %arg6[%multiple_of3A_59, %multiple_of3A_62] : memref<2912x20000xf32, #tpu.memory_space<hbm>> -> memref<8x128xf32, #tpu.memory_space<hbm>>
      %dma_start3A_69 = arith.constant 0 : i32
      %dma_start3A_70 = arith.constant 0 : i32
      %dma_start3A_71 = tpu.memref_slice %arg11[%dma_start3A_63, %dma_start3A_69, %dma_start3A_70] : memref<16x8x128xf32, #tpu.memory_space<vmem>> -> memref<1x8x128xf32, #tpu.memory_space<vmem>>
      %dma_start3A_72 = tpu.memref_squeeze %dma_start3A_71 : memref<1x8x128xf32, #tpu.memory_space<vmem>> -> memref<8x128xf32, #tpu.memory_space<vmem>>
      %dma_start3A_73 = tpu.memref_slice %arg6[%multiple_of3A_59, %multiple_of3A_62] : memref<2912x20000xf32, #tpu.memory_space<hbm>> -> memref<8x128xf32, #tpu.memory_space<hbm>>
      tpu.enqueue_dma source(%dma_start3A_73 : memref<8x128xf32, #tpu.memory_space<hbm>>) target(%dma_start3A_72 : memref<8x128xf32, #tpu.memory_space<vmem>>) target_semaphore(%arg16 : memref<!tpu.dma_semaphore, #tpu.memory_space<semaphore_mem>>)
      %dma_start3A_74 = arith.constant 1 : i32
      %dma_start3A_75 = arith.constant 0 : i32
      %dma_start3A_76 = arith.constant 0 : i32
      %dma_start3A_77 = tpu.memref_slice %arg13[%dma_start3A_74, %dma_start3A_75, %dma_start3A_76] : memref<16x4x128xf32, #tpu.memory_space<vmem>> -> memref<1x4x128xf32, #tpu.memory_space<vmem>>
      %dma_start3A_78 = tpu.memref_squeeze %dma_start3A_77 : memref<1x4x128xf32, #tpu.memory_space<vmem>> -> memref<4x128xf32, #tpu.memory_space<vmem>>
      %dma_start3A_79 = arith.constant 0 : i32
      %dma_start3A_80 = tpu.memref_slice %arg5[%squeeze3A_56, %dma_start3A_79, %multiple_of3A_62] : memref<32x4x20000xf32, #tpu.memory_space<hbm>> -> memref<1x4x128xf32, #tpu.memory_space<hbm>>
      %dma_start3A_81 = tpu.memref_squeeze %dma_start3A_80 : memref<1x4x128xf32, #tpu.memory_space<hbm>> -> memref<4x128xf32, #tpu.memory_space<hbm>>
      %dma_start3A_82 = arith.constant 0 : i32
      %dma_start3A_83 = arith.constant 0 : i32
      %dma_start3A_84 = tpu.memref_slice %arg13[%dma_start3A_74, %dma_start3A_82, %dma_start3A_83] : memref<16x4x128xf32, #tpu.memory_space<vmem>> -> memref<1x4x128xf32, #tpu.memory_space<vmem>>
      %dma_start3A_85 = tpu.memref_squeeze %dma_start3A_84 : memref<1x4x128xf32, #tpu.memory_space<vmem>> -> memref<4x128xf32, #tpu.memory_space<vmem>>
      %dma_start3A_86 = arith.constant 0 : i32
      %dma_start3A_87 = tpu.memref_slice %arg5[%squeeze3A_56, %dma_start3A_86, %multiple_of3A_62] : memref<32x4x20000xf32, #tpu.memory_space<hbm>> -> memref<1x4x128xf32, #tpu.memory_space<hbm>>
      %dma_start3A_88 = tpu.memref_squeeze %dma_start3A_87 : memref<1x4x128xf32, #tpu.memory_space<hbm>> -> memref<4x128xf32, #tpu.memory_space<hbm>>
      tpu.enqueue_dma source(%dma_start3A_88 : memref<4x128xf32, #tpu.memory_space<hbm>>) target(%dma_start3A_85 : memref<4x128xf32, #tpu.memory_space<vmem>>) target_semaphore(%arg16 : memref<!tpu.dma_semaphore, #tpu.memory_space<semaphore_mem>>)
      %slice3A_89 = vector.extract_strided_slice %get3A_11 {offsets = [2], sizes = [1], strides = [1]} : vector<16xi32> to vector<1xi32>
      %squeeze3A_90 = vector.extract %slice3A_89[0] : i32 from vector<1xi32>
      %slice3A_91 = vector.extract_strided_slice %and3A_21 {offsets = [2], sizes = [1], strides = [1]} : vector<16xi32> to vector<1xi32>
      %squeeze3A_92 = vector.extract %slice3A_91[0] : i32 from vector<1xi32>
      %multiple_of3A_93 = tpu.assume_multiple %squeeze3A_92, 8 : i32
      %slice3A_94 = vector.extract_strided_slice %and3A_24 {offsets = [2], sizes = [1], strides = [1]} : vector<16xi32> to vector<1xi32>
      %squeeze3A_95 = vector.extract %slice3A_94[0] : i32 from vector<1xi32>
      %multiple_of3A_96 = tpu.assume_multiple %squeeze3A_95, 128 : i32
      %dma_start3A_97 = arith.constant 2 : i32
      %dma_start3A_98 = arith.constant 0 : i32
      %dma_start3A_99 = arith.constant 0 : i32
      %dma_start3A_100 = tpu.memref_slice %arg11[%dma_start3A_97, %dma_start3A_98, %dma_start3A_99] : memref<16x8x128xf32, #tpu.memory_space<vmem>> -> memref<1x8x128xf32, #tpu.memory_space<vmem>>
      %dma_start3A_101 = tpu.memref_squeeze %dma_start3A_100 : memref<1x8x128xf32, #tpu.memory_space<vmem>> -> memref<8x128xf32, #tpu.memory_space<vmem>>
      %dma_start3A_102 = tpu.memref_slice %arg6[%multiple_of3A_93, %multiple_of3A_96] : memref<2912x20000xf32, #tpu.memory_space<hbm>> -> memref<8x128xf32, #tpu.memory_space<hbm>>
      %dma_start3A_103 = arith.constant 0 : i32
      %dma_start3A_104 = arith.constant 0 : i32
      %dma_start3A_105 = tpu.memref_slice %arg11[%dma_start3A_97, %dma_start3A_103, %dma_start3A_104] : memref<16x8x128xf32, #tpu.memory_space<vmem>> -> memref<1x8x128xf32, #tpu.memory_space<vmem>>
      %dma_start3A_106 = tpu.memref_squeeze %dma_start3A_105 : memref<1x8x128xf32, #tpu.memory_space<vmem>> -> memref<8x128xf32, #tpu.memory_space<vmem>>
      %dma_start3A_107 = tpu.memref_slice %arg6[%multiple_of3A_93, %multiple_of3A_96] : memref<2912x20000xf32, #tpu.memory_space<hbm>> -> memref<8x128xf32, #tpu.memory_space<hbm>>
      tpu.enqueue_dma source(%dma_start3A_107 : memref<8x128xf32, #tpu.memory_space<hbm>>) target(%dma_start3A_106 : memref<8x128xf32, #tpu.memory_space<vmem>>) target_semaphore(%arg16 : memref<!tpu.dma_semaphore, #tpu.memory_space<semaphore_mem>>)
      %dma_start3A_108 = arith.constant 2 : i32
      %dma_start3A_109 = arith.constant 0 : i32
      %dma_start3A_110 = arith.constant 0 : i32
      %dma_start3A_111 = tpu.memref_slice %arg13[%dma_start3A_108, %dma_start3A_109, %dma_start3A_110] : memref<16x4x128xf32, #tpu.memory_space<vmem>> -> memref<1x4x128xf32, #tpu.memory_space<vmem>>
      %dma_start3A_112 = tpu.memref_squeeze %dma_start3A_111 : memref<1x4x128xf32, #tpu.memory_space<vmem>> -> memref<4x128xf32, #tpu.memory_space<vmem>>
      %dma_start3A_113 = arith.constant 0 : i32
      %dma_start3A_114 = tpu.memref_slice %arg5[%squeeze3A_90, %dma_start3A_113, %multiple_of3A_96] : memref<32x4x20000xf32, #tpu.memory_space<hbm>> -> memref<1x4x128xf32, #tpu.memory_space<hbm>>
      %dma_start3A_115 = tpu.memref_squeeze %dma_start3A_114 : memref<1x4x128xf32, #tpu.memory_space<hbm>> -> memref<4x128xf32, #tpu.memory_space<hbm>>
      %dma_start3A_116 = arith.constant 0 : i32
      %dma_start3A_117 = arith.constant 0 : i32
      %dma_start3A_118 = tpu.memref_slice %arg13[%dma_start3A_108, %dma_start3A_116, %dma_start3A_117] : memref<16x4x128xf32, #tpu.memory_space<vmem>> -> memref<1x4x128xf32, #tpu.memory_space<vmem>>
      %dma_start3A_119 = tpu.memref_squeeze %dma_start3A_118 : memref<1x4x128xf32, #tpu.memory_space<vmem>> -> memref<4x128xf32, #tpu.memory_space<vmem>>
      %dma_start3A_120 = arith.constant 0 : i32
      %dma_start3A_121 = tpu.memref_slice %arg5[%squeeze3A_90, %dma_start3A_120, %multiple_of3A_96] : memref<32x4x20000xf32, #tpu.memory_space<hbm>> -> memref<1x4x128xf32, #tpu.memory_space<hbm>>
      %dma_start3A_122 = tpu.memref_squeeze %dma_start3A_121 : memref<1x4x128xf32, #tpu.memory_space<hbm>> -> memref<4x128xf32, #tpu.memory_space<hbm>>
      tpu.enqueue_dma source(%dma_start3A_122 : memref<4x128xf32, #tpu.memory_space<hbm>>) target(%dma_start3A_119 : memref<4x128xf32, #tpu.memory_space<vmem>>) target_semaphore(%arg16 : memref<!tpu.dma_semaphore, #tpu.memory_space<semaphore_mem>>)
      %slice3A_123 = vector.extract_strided_slice %get3A_11 {offsets = [3], sizes = [1], strides = [1]} : vector<16xi32> to vector<1xi32>
      %squeeze3A_124 = vector.extract %slice3A_123[0] : i32 from vector<1xi32>
      %slice3A_125 = vector.extract_strided_slice %and3A_21 {offsets = [3], sizes = [1], strides = [1]} : vector<16xi32> to vector<1xi32>
      %squeeze3A_126 = vector.extract %slice3A_125[0] : i32 from vector<1xi32>
      %multiple_of3A_127 = tpu.assume_multiple %squeeze3A_126, 8 : i32
      %slice3A_128 = vector.extract_strided_slice %and3A_24 {offsets = [3], sizes = [1], strides = [1]} : vector<16xi32> to vector<1xi32>
      %squeeze3A_129 = vector.extract %slice3A_128[0] : i32 from vector<1xi32>
      %multiple_of3A_130 = tpu.assume_multiple %squeeze3A_129, 128 : i32
      %dma_start3A_131 = arith.constant 3 : i32
      %dma_start3A_132 = arith.constant 0 : i32
      %dma_start3A_133 = arith.constant 0 : i32
      %dma_start3A_134 = tpu.memref_slice %arg11[%dma_start3A_131, %dma_start3A_132, %dma_start3A_133] : memref<16x8x128xf32, #tpu.memory_space<vmem>> -> memref<1x8x128xf32, #tpu.memory_space<vmem>>
      %dma_start3A_135 = tpu.memref_squeeze %dma_start3A_134 : memref<1x8x128xf32, #tpu.memory_space<vmem>> -> memref<8x128xf32, #tpu.memory_space<vmem>>
      %dma_start3A_136 = tpu.memref_slice %arg6[%multiple_of3A_127, %multiple_of3A_130] : memref<2912x20000xf32, #tpu.memory_space<hbm>> -> memref<8x128xf32, #tpu.memory_space<hbm>>
      %dma_start3A_137 = arith.constant 0 : i32
      %dma_start3A_138 = arith.constant 0 : i32
      %dma_start3A_139 = tpu.memref_slice %arg11[%dma_start3A_131, %dma_start3A_137, %dma_start3A_138] : memref<16x8x128xf32, #tpu.memory_space<vmem>> -> memref<1x8x128xf32, #tpu.memory_space<vmem>>
      %dma_start3A_140 = tpu.memref_squeeze %dma_start3A_139 : memref<1x8x128xf32, #tpu.memory_space<vmem>> -> memref<8x128xf32, #tpu.memory_space<vmem>>
      %dma_start3A_141 = tpu.memref_slice %arg6[%multiple_of3A_127, %multiple_of3A_130] : memref<2912x20000xf32, #tpu.memory_space<hbm>> -> memref<8x128xf32, #tpu.memory_space<hbm>>
      tpu.enqueue_dma source(%dma_start3A_141 : memref<8x128xf32, #tpu.memory_space<hbm>>) target(%dma_start3A_140 : memref<8x128xf32, #tpu.memory_space<vmem>>) target_semaphore(%arg16 : memref<!tpu.dma_semaphore, #tpu.memory_space<semaphore_mem>>)
      %dma_start3A_142 = arith.constant 3 : i32
      %dma_start3A_143 = arith.constant 0 : i32
      %dma_start3A_144 = arith.constant 0 : i32
      %dma_start3A_145 = tpu.memref_slice %arg13[%dma_start3A_142, %dma_start3A_143, %dma_start3A_144] : memref<16x4x128xf32, #tpu.memory_space<vmem>> -> memref<1x4x128xf32, #tpu.memory_space<vmem>>
      %dma_start3A_146 = tpu.memref_squeeze %dma_start3A_145 : memref<1x4x128xf32, #tpu.memory_space<vmem>> -> memref<4x128xf32, #tpu.memory_space<vmem>>
      %dma_start3A_147 = arith.constant 0 : i32
      %dma_start3A_148 = tpu.memref_slice %arg5[%squeeze3A_124, %dma_start3A_147, %multiple_of3A_130] : memref<32x4x20000xf32, #tpu.memory_space<hbm>> -> memref<1x4x128xf32, #tpu.memory_space<hbm>>
      %dma_start3A_149 = tpu.memref_squeeze %dma_start3A_148 : memref<1x4x128xf32, #tpu.memory_space<hbm>> -> memref<4x128xf32, #tpu.memory_space<hbm>>
      %dma_start3A_150 = arith.constant 0 : i32
      %dma_start3A_151 = arith.constant 0 : i32
      %dma_start3A_152 = tpu.memref_slice %arg13[%dma_start3A_142, %dma_start3A_150, %dma_start3A_151] : memref<16x4x128xf32, #tpu.memory_space<vmem>> -> memref<1x4x128xf32, #tpu.memory_space<vmem>>
      %dma_start3A_153 = tpu.memref_squeeze %dma_start3A_152 : memref<1x4x128xf32, #tpu.memory_space<vmem>> -> memref<4x128xf32, #tpu.memory_space<vmem>>
      %dma_start3A_154 = arith.constant 0 : i32
      %dma_start3A_155 = tpu.memref_slice %arg5[%squeeze3A_124, %dma_start3A_154, %multiple_of3A_130] : memref<32x4x20000xf32, #tpu.memory_space<hbm>> -> memref<1x4x128xf32, #tpu.memory_space<hbm>>
      %dma_start3A_156 = tpu.memref_squeeze %dma_start3A_155 : memref<1x4x128xf32, #tpu.memory_space<hbm>> -> memref<4x128xf32, #tpu.memory_space<hbm>>
      tpu.enqueue_dma source(%dma_start3A_156 : memref<4x128xf32, #tpu.memory_space<hbm>>) target(%dma_start3A_153 : memref<4x128xf32, #tpu.memory_space<vmem>>) target_semaphore(%arg16 : memref<!tpu.dma_semaphore, #tpu.memory_space<semaphore_mem>>)
      %slice3A_157 = vector.extract_strided_slice %get3A_11 {offsets = [4], sizes = [1], strides = [1]} : vector<16xi32> to vector<1xi32>
      %squeeze3A_158 = vector.extract %slice3A_157[0] : i32 from vector<1xi32>
      %slice3A_159 = vector.extract_strided_slice %and3A_21 {offsets = [4], sizes = [1], strides = [1]} : vector<16xi32> to vector<1xi32>
      %squeeze3A_160 = vector.extract %slice3A_159[0] : i32 from vector<1xi32>
      %multiple_of3A_161 = tpu.assume_multiple %squeeze3A_160, 8 : i32
      %slice3A_162 = vector.extract_strided_slice %and3A_24 {offsets = [4], sizes = [1], strides = [1]} : vector<16xi32> to vector<1xi32>
      %squeeze3A_163 = vector.extract %slice3A_162[0] : i32 from vector<1xi32>
      %multiple_of3A_164 = tpu.assume_multiple %squeeze3A_163, 128 : i32
      %dma_start3A_165 = arith.constant 4 : i32
      %dma_start3A_166 = arith.constant 0 : i32
      %dma_start3A_167 = arith.constant 0 : i32
      %dma_start3A_168 = tpu.memref_slice %arg11[%dma_start3A_165, %dma_start3A_166, %dma_start3A_167] : memref<16x8x128xf32, #tpu.memory_space<vmem>> -> memref<1x8x128xf32, #tpu.memory_space<vmem>>
      %dma_start3A_169 = tpu.memref_squeeze %dma_start3A_168 : memref<1x8x128xf32, #tpu.memory_space<vmem>> -> memref<8x128xf32, #tpu.memory_space<vmem>>
      %dma_start3A_170 = tpu.memref_slice %arg6[%multiple_of3A_161, %multiple_of3A_164] : memref<2912x20000xf32, #tpu.memory_space<hbm>> -> memref<8x128xf32, #tpu.memory_space<hbm>>
      %dma_start3A_171 = arith.constant 0 : i32
      %dma_start3A_172 = arith.constant 0 : i32
      %dma_start3A_173 = tpu.memref_slice %arg11[%dma_start3A_165, %dma_start3A_171, %dma_start3A_172] : memref<16x8x128xf32, #tpu.memory_space<vmem>> -> memref<1x8x128xf32, #tpu.memory_space<vmem>>
      %dma_start3A_174 = tpu.memref_squeeze %dma_start3A_173 : memref<1x8x128xf32, #tpu.memory_space<vmem>> -> memref<8x128xf32, #tpu.memory_space<vmem>>
      %dma_start3A_175 = tpu.memref_slice %arg6[%multiple_of3A_161, %multiple_of3A_164] : memref<2912x20000xf32, #tpu.memory_space<hbm>> -> memref<8x128xf32, #tpu.memory_space<hbm>>
      tpu.enqueue_dma source(%dma_start3A_175 : memref<8x128xf32, #tpu.memory_space<hbm>>) target(%dma_start3A_174 : memref<8x128xf32, #tpu.memory_space<vmem>>) target_semaphore(%arg16 : memref<!tpu.dma_semaphore, #tpu.memory_space<semaphore_mem>>)
      %dma_start3A_176 = arith.constant 4 : i32
      %dma_start3A_177 = arith.constant 0 : i32
      %dma_start3A_178 = arith.constant 0 : i32
      %dma_start3A_179 = tpu.memref_slice %arg13[%dma_start3A_176, %dma_start3A_177, %dma_start3A_178] : memref<16x4x128xf32, #tpu.memory_space<vmem>> -> memref<1x4x128xf32, #tpu.memory_space<vmem>>
      %dma_start3A_180 = tpu.memref_squeeze %dma_start3A_179 : memref<1x4x128xf32, #tpu.memory_space<vmem>> -> memref<4x128xf32, #tpu.memory_space<vmem>>
      %dma_start3A_181 = arith.constant 0 : i32
      %dma_start3A_182 = tpu.memref_slice %arg5[%squeeze3A_158, %dma_start3A_181, %multiple_of3A_164] : memref<32x4x20000xf32, #tpu.memory_space<hbm>> -> memref<1x4x128xf32, #tpu.memory_space<hbm>>
      %dma_start3A_183 = tpu.memref_squeeze %dma_start3A_182 : memref<1x4x128xf32, #tpu.memory_space<hbm>> -> memref<4x128xf32, #tpu.memory_space<hbm>>
      %dma_start3A_184 = arith.constant 0 : i32
      %dma_start3A_185 = arith.constant 0 : i32
      %dma_start3A_186 = tpu.memref_slice %arg13[%dma_start3A_176, %dma_start3A_184, %dma_start3A_185] : memref<16x4x128xf32, #tpu.memory_space<vmem>> -> memref<1x4x128xf32, #tpu.memory_space<vmem>>
      %dma_start3A_187 = tpu.memref_squeeze %dma_start3A_186 : memref<1x4x128xf32, #tpu.memory_space<vmem>> -> memref<4x128xf32, #tpu.memory_space<vmem>>
      %dma_start3A_188 = arith.constant 0 : i32
      %dma_start3A_189 = tpu.memref_slice %arg5[%squeeze3A_158, %dma_start3A_188, %multiple_of3A_164] : memref<32x4x20000xf32, #tpu.memory_space<hbm>> -> memref<1x4x128xf32, #tpu.memory_space<hbm>>
      %dma_start3A_190 = tpu.memref_squeeze %dma_start3A_189 : memref<1x4x128xf32, #tpu.memory_space<hbm>> -> memref<4x128xf32, #tpu.memory_space<hbm>>
      tpu.enqueue_dma source(%dma_start3A_190 : memref<4x128xf32, #tpu.memory_space<hbm>>) target(%dma_start3A_187 : memref<4x128xf32, #tpu.memory_space<vmem>>) target_semaphore(%arg16 : memref<!tpu.dma_semaphore, #tpu.memory_space<semaphore_mem>>)
      %slice3A_191 = vector.extract_strided_slice %get3A_11 {offsets = [5], sizes = [1], strides = [1]} : vector<16xi32> to vector<1xi32>
      %squeeze3A_192 = vector.extract %slice3A_191[0] : i32 from vector<1xi32>
      %slice3A_193 = vector.extract_strided_slice %and3A_21 {offsets = [5], sizes = [1], strides = [1]} : vector<16xi32> to vector<1xi32>
      %squeeze3A_194 = vector.extract %slice3A_193[0] : i32 from vector<1xi32>
      %multiple_of3A_195 = tpu.assume_multiple %squeeze3A_194, 8 : i32
      %slice3A_196 = vector.extract_strided_slice %and3A_24 {offsets = [5], sizes = [1], strides = [1]} : vector<16xi32> to vector<1xi32>
      %squeeze3A_197 = vector.extract %slice3A_196[0] : i32 from vector<1xi32>
      %multiple_of3A_198 = tpu.assume_multiple %squeeze3A_197, 128 : i32
      %dma_start3A_199 = arith.constant 5 : i32
      %dma_start3A_200 = arith.constant 0 : i32
      %dma_start3A_201 = arith.constant 0 : i32
      %dma_start3A_202 = tpu.memref_slice %arg11[%dma_start3A_199, %dma_start3A_200, %dma_start3A_201] : memref<16x8x128xf32, #tpu.memory_space<vmem>> -> memref<1x8x128xf32, #tpu.memory_space<vmem>>
      %dma_start3A_203 = tpu.memref_squeeze %dma_start3A_202 : memref<1x8x128xf32, #tpu.memory_space<vmem>> -> memref<8x128xf32, #tpu.memory_space<vmem>>
      %dma_start3A_204 = tpu.memref_slice %arg6[%multiple_of3A_195, %multiple_of3A_198] : memref<2912x20000xf32, #tpu.memory_space<hbm>> -> memref<8x128xf32, #tpu.memory_space<hbm>>
      %dma_start3A_205 = arith.constant 0 : i32
      %dma_start3A_206 = arith.constant 0 : i32
      %dma_start3A_207 = tpu.memref_slice %arg11[%dma_start3A_199, %dma_start3A_205, %dma_start3A_206] : memref<16x8x128xf32, #tpu.memory_space<vmem>> -> memref<1x8x128xf32, #tpu.memory_space<vmem>>
      %dma_start3A_208 = tpu.memref_squeeze %dma_start3A_207 : memref<1x8x128xf32, #tpu.memory_space<vmem>> -> memref<8x128xf32, #tpu.memory_space<vmem>>
      %dma_start3A_209 = tpu.memref_slice %arg6[%multiple_of3A_195, %multiple_of3A_198] : memref<2912x20000xf32, #tpu.memory_space<hbm>> -> memref<8x128xf32, #tpu.memory_space<hbm>>
      tpu.enqueue_dma source(%dma_start3A_209 : memref<8x128xf32, #tpu.memory_space<hbm>>) target(%dma_start3A_208 : memref<8x128xf32, #tpu.memory_space<vmem>>) target_semaphore(%arg16 : memref<!tpu.dma_semaphore, #tpu.memory_space<semaphore_mem>>)
      %dma_start3A_210 = arith.constant 5 : i32
      %dma_start3A_211 = arith.constant 0 : i32
      %dma_start3A_212 = arith.constant 0 : i32
      %dma_start3A_213 = tpu.memref_slice %arg13[%dma_start3A_210, %dma_start3A_211, %dma_start3A_212] : memref<16x4x128xf32, #tpu.memory_space<vmem>> -> memref<1x4x128xf32, #tpu.memory_space<vmem>>
      %dma_start3A_214 = tpu.memref_squeeze %dma_start3A_213 : memref<1x4x128xf32, #tpu.memory_space<vmem>> -> memref<4x128xf32, #tpu.memory_space<vmem>>
      %dma_start3A_215 = arith.constant 0 : i32
      %dma_start3A_216 = tpu.memref_slice %arg5[%squeeze3A_192, %dma_start3A_215, %multiple_of3A_198] : memref<32x4x20000xf32, #tpu.memory_space<hbm>> -> memref<1x4x128xf32, #tpu.memory_space<hbm>>
      %dma_start3A_217 = tpu.memref_squeeze %dma_start3A_216 : memref<1x4x128xf32, #tpu.memory_space<hbm>> -> memref<4x128xf32, #tpu.memory_space<hbm>>
      %dma_start3A_218 = arith.constant 0 : i32
      %dma_start3A_219 = arith.constant 0 : i32
      %dma_start3A_220 = tpu.memref_slice %arg13[%dma_start3A_210, %dma_start3A_218, %dma_start3A_219] : memref<16x4x128xf32, #tpu.memory_space<vmem>> -> memref<1x4x128xf32, #tpu.memory_space<vmem>>
      %dma_start3A_221 = tpu.memref_squeeze %dma_start3A_220 : memref<1x4x128xf32, #tpu.memory_space<vmem>> -> memref<4x128xf32, #tpu.memory_space<vmem>>
      %dma_start3A_222 = arith.constant 0 : i32
      %dma_start3A_223 = tpu.memref_slice %arg5[%squeeze3A_192, %dma_start3A_222, %multiple_of3A_198] : memref<32x4x20000xf32, #tpu.memory_space<hbm>> -> memref<1x4x128xf32, #tpu.memory_space<hbm>>
      %dma_start3A_224 = tpu.memref_squeeze %dma_start3A_223 : memref<1x4x128xf32, #tpu.memory_space<hbm>> -> memref<4x128xf32, #tpu.memory_space<hbm>>
      tpu.enqueue_dma source(%dma_start3A_224 : memref<4x128xf32, #tpu.memory_space<hbm>>) target(%dma_start3A_221 : memref<4x128xf32, #tpu.memory_space<vmem>>) target_semaphore(%arg16 : memref<!tpu.dma_semaphore, #tpu.memory_space<semaphore_mem>>)
      %slice3A_225 = vector.extract_strided_slice %get3A_11 {offsets = [6], sizes = [1], strides = [1]} : vector<16xi32> to vector<1xi32>
      %squeeze3A_226 = vector.extract %slice3A_225[0] : i32 from vector<1xi32>
      %slice3A_227 = vector.extract_strided_slice %and3A_21 {offsets = [6], sizes = [1], strides = [1]} : vector<16xi32> to vector<1xi32>
      %squeeze3A_228 = vector.extract %slice3A_227[0] : i32 from vector<1xi32>
      %multiple_of3A_229 = tpu.assume_multiple %squeeze3A_228, 8 : i32
      %slice3A_230 = vector.extract_strided_slice %and3A_24 {offsets = [6], sizes = [1], strides = [1]} : vector<16xi32> to vector<1xi32>
      %squeeze3A_231 = vector.extract %slice3A_230[0] : i32 from vector<1xi32>
      %multiple_of3A_232 = tpu.assume_multiple %squeeze3A_231, 128 : i32
      %dma_start3A_233 = arith.constant 6 : i32
      %dma_start3A_234 = arith.constant 0 : i32
      %dma_start3A_235 = arith.constant 0 : i32
      %dma_start3A_236 = tpu.memref_slice %arg11[%dma_start3A_233, %dma_start3A_234, %dma_start3A_235] : memref<16x8x128xf32, #tpu.memory_space<vmem>> -> memref<1x8x128xf32, #tpu.memory_space<vmem>>
      %dma_start3A_237 = tpu.memref_squeeze %dma_start3A_236 : memref<1x8x128xf32, #tpu.memory_space<vmem>> -> memref<8x128xf32, #tpu.memory_space<vmem>>
      %dma_start3A_238 = tpu.memref_slice %arg6[%multiple_of3A_229, %multiple_of3A_232] : memref<2912x20000xf32, #tpu.memory_space<hbm>> -> memref<8x128xf32, #tpu.memory_space<hbm>>
      %dma_start3A_239 = arith.constant 0 : i32
      %dma_start3A_240 = arith.constant 0 : i32
      %dma_start3A_241 = tpu.memref_slice %arg11[%dma_start3A_233, %dma_start3A_239, %dma_start3A_240] : memref<16x8x128xf32, #tpu.memory_space<vmem>> -> memref<1x8x128xf32, #tpu.memory_space<vmem>>
      %dma_start3A_242 = tpu.memref_squeeze %dma_start3A_241 : memref<1x8x128xf32, #tpu.memory_space<vmem>> -> memref<8x128xf32, #tpu.memory_space<vmem>>
      %dma_start3A_243 = tpu.memref_slice %arg6[%multiple_of3A_229, %multiple_of3A_232] : memref<2912x20000xf32, #tpu.memory_space<hbm>> -> memref<8x128xf32, #tpu.memory_space<hbm>>
      tpu.enqueue_dma source(%dma_start3A_243 : memref<8x128xf32, #tpu.memory_space<hbm>>) target(%dma_start3A_242 : memref<8x128xf32, #tpu.memory_space<vmem>>) target_semaphore(%arg16 : memref<!tpu.dma_semaphore, #tpu.memory_space<semaphore_mem>>)
      %dma_start3A_244 = arith.constant 6 : i32
      %dma_start3A_245 = arith.constant 0 : i32
      %dma_start3A_246 = arith.constant 0 : i32
      %dma_start3A_247 = tpu.memref_slice %arg13[%dma_start3A_244, %dma_start3A_245, %dma_start3A_246] : memref<16x4x128xf32, #tpu.memory_space<vmem>> -> memref<1x4x128xf32, #tpu.memory_space<vmem>>
      %dma_start3A_248 = tpu.memref_squeeze %dma_start3A_247 : memref<1x4x128xf32, #tpu.memory_space<vmem>> -> memref<4x128xf32, #tpu.memory_space<vmem>>
      %dma_start3A_249 = arith.constant 0 : i32
      %dma_start3A_250 = tpu.memref_slice %arg5[%squeeze3A_226, %dma_start3A_249, %multiple_of3A_232] : memref<32x4x20000xf32, #tpu.memory_space<hbm>> -> memref<1x4x128xf32, #tpu.memory_space<hbm>>
      %dma_start3A_251 = tpu.memref_squeeze %dma_start3A_250 : memref<1x4x128xf32, #tpu.memory_space<hbm>> -> memref<4x128xf32, #tpu.memory_space<hbm>>
      %dma_start3A_252 = arith.constant 0 : i32
      %dma_start3A_253 = arith.constant 0 : i32
      %dma_start3A_254 = tpu.memref_slice %arg13[%dma_start3A_244, %dma_start3A_252, %dma_start3A_253] : memref<16x4x128xf32, #tpu.memory_space<vmem>> -> memref<1x4x128xf32, #tpu.memory_space<vmem>>
      %dma_start3A_255 = tpu.memref_squeeze %dma_start3A_254 : memref<1x4x128xf32, #tpu.memory_space<vmem>> -> memref<4x128xf32, #tpu.memory_space<vmem>>
      %dma_start3A_256 = arith.constant 0 : i32
      %dma_start3A_257 = tpu.memref_slice %arg5[%squeeze3A_226, %dma_start3A_256, %multiple_of3A_232] : memref<32x4x20000xf32, #tpu.memory_space<hbm>> -> memref<1x4x128xf32, #tpu.memory_space<hbm>>
      %dma_start3A_258 = tpu.memref_squeeze %dma_start3A_257 : memref<1x4x128xf32, #tpu.memory_space<hbm>> -> memref<4x128xf32, #tpu.memory_space<hbm>>
      tpu.enqueue_dma source(%dma_start3A_258 : memref<4x128xf32, #tpu.memory_space<hbm>>) target(%dma_start3A_255 : memref<4x128xf32, #tpu.memory_space<vmem>>) target_semaphore(%arg16 : memref<!tpu.dma_semaphore, #tpu.memory_space<semaphore_mem>>)
      %slice3A_259 = vector.extract_strided_slice %get3A_11 {offsets = [7], sizes = [1], strides = [1]} : vector<16xi32> to vector<1xi32>
      %squeeze3A_260 = vector.extract %slice3A_259[0] : i32 from vector<1xi32>
      %slice3A_261 = vector.extract_strided_slice %and3A_21 {offsets = [7], sizes = [1], strides = [1]} : vector<16xi32> to vector<1xi32>
      %squeeze3A_262 = vector.extract %slice3A_261[0] : i32 from vector<1xi32>
      %multiple_of3A_263 = tpu.assume_multiple %squeeze3A_262, 8 : i32
      %slice3A_264 = vector.extract_strided_slice %and3A_24 {offsets = [7], sizes = [1], strides = [1]} : vector<16xi32> to vector<1xi32>
      %squeeze3A_265 = vector.extract %slice3A_264[0] : i32 from vector<1xi32>
      %multiple_of3A_266 = tpu.assume_multiple %squeeze3A_265, 128 : i32
      %dma_start3A_267 = arith.constant 7 : i32
      %dma_start3A_268 = arith.constant 0 : i32
      %dma_start3A_269 = arith.constant 0 : i32
      %dma_start3A_270 = tpu.memref_slice %arg11[%dma_start3A_267, %dma_start3A_268, %dma_start3A_269] : memref<16x8x128xf32, #tpu.memory_space<vmem>> -> memref<1x8x128xf32, #tpu.memory_space<vmem>>
      %dma_start3A_271 = tpu.memref_squeeze %dma_start3A_270 : memref<1x8x128xf32, #tpu.memory_space<vmem>> -> memref<8x128xf32, #tpu.memory_space<vmem>>
      %dma_start3A_272 = tpu.memref_slice %arg6[%multiple_of3A_263, %multiple_of3A_266] : memref<2912x20000xf32, #tpu.memory_space<hbm>> -> memref<8x128xf32, #tpu.memory_space<hbm>>
      %dma_start3A_273 = arith.constant 0 : i32
      %dma_start3A_274 = arith.constant 0 : i32
      %dma_start3A_275 = tpu.memref_slice %arg11[%dma_start3A_267, %dma_start3A_273, %dma_start3A_274] : memref<16x8x128xf32, #tpu.memory_space<vmem>> -> memref<1x8x128xf32, #tpu.memory_space<vmem>>
      %dma_start3A_276 = tpu.memref_squeeze %dma_start3A_275 : memref<1x8x128xf32, #tpu.memory_space<vmem>> -> memref<8x128xf32, #tpu.memory_space<vmem>>
      %dma_start3A_277 = tpu.memref_slice %arg6[%multiple_of3A_263, %multiple_of3A_266] : memref<2912x20000xf32, #tpu.memory_space<hbm>> -> memref<8x128xf32, #tpu.memory_space<hbm>>
      tpu.enqueue_dma source(%dma_start3A_277 : memref<8x128xf32, #tpu.memory_space<hbm>>) target(%dma_start3A_276 : memref<8x128xf32, #tpu.memory_space<vmem>>) target_semaphore(%arg16 : memref<!tpu.dma_semaphore, #tpu.memory_space<semaphore_mem>>)
      %dma_start3A_278 = arith.constant 7 : i32
      %dma_start3A_279 = arith.constant 0 : i32
      %dma_start3A_280 = arith.constant 0 : i32
      %dma_start3A_281 = tpu.memref_slice %arg13[%dma_start3A_278, %dma_start3A_279, %dma_start3A_280] : memref<16x4x128xf32, #tpu.memory_space<vmem>> -> memref<1x4x128xf32, #tpu.memory_space<vmem>>
      %dma_start3A_282 = tpu.memref_squeeze %dma_start3A_281 : memref<1x4x128xf32, #tpu.memory_space<vmem>> -> memref<4x128xf32, #tpu.memory_space<vmem>>
      %dma_start3A_283 = arith.constant 0 : i32
      %dma_start3A_284 = tpu.memref_slice %arg5[%squeeze3A_260, %dma_start3A_283, %multiple_of3A_266] : memref<32x4x20000xf32, #tpu.memory_space<hbm>> -> memref<1x4x128xf32, #tpu.memory_space<hbm>>
      %dma_start3A_285 = tpu.memref_squeeze %dma_start3A_284 : memref<1x4x128xf32, #tpu.memory_space<hbm>> -> memref<4x128xf32, #tpu.memory_space<hbm>>
      %dma_start3A_286 = arith.constant 0 : i32
      %dma_start3A_287 = arith.constant 0 : i32
      %dma_start3A_288 = tpu.memref_slice %arg13[%dma_start3A_278, %dma_start3A_286, %dma_start3A_287] : memref<16x4x128xf32, #tpu.memory_space<vmem>> -> memref<1x4x128xf32, #tpu.memory_space<vmem>>
      %dma_start3A_289 = tpu.memref_squeeze %dma_start3A_288 : memref<1x4x128xf32, #tpu.memory_space<vmem>> -> memref<4x128xf32, #tpu.memory_space<vmem>>
      %dma_start3A_290 = arith.constant 0 : i32
      %dma_start3A_291 = tpu.memref_slice %arg5[%squeeze3A_260, %dma_start3A_290, %multiple_of3A_266] : memref<32x4x20000xf32, #tpu.memory_space<hbm>> -> memref<1x4x128xf32, #tpu.memory_space<hbm>>
      %dma_start3A_292 = tpu.memref_squeeze %dma_start3A_291 : memref<1x4x128xf32, #tpu.memory_space<hbm>> -> memref<4x128xf32, #tpu.memory_space<hbm>>
      tpu.enqueue_dma source(%dma_start3A_292 : memref<4x128xf32, #tpu.memory_space<hbm>>) target(%dma_start3A_289 : memref<4x128xf32, #tpu.memory_space<vmem>>) target_semaphore(%arg16 : memref<!tpu.dma_semaphore, #tpu.memory_space<semaphore_mem>>)
      %slice3A_293 = vector.extract_strided_slice %get3A_11 {offsets = [8], sizes = [1], strides = [1]} : vector<16xi32> to vector<1xi32>
      %squeeze3A_294 = vector.extract %slice3A_293[0] : i32 from vector<1xi32>
      %slice3A_295 = vector.extract_strided_slice %and3A_21 {offsets = [8], sizes = [1], strides = [1]} : vector<16xi32> to vector<1xi32>
      %squeeze3A_296 = vector.extract %slice3A_295[0] : i32 from vector<1xi32>
      %multiple_of3A_297 = tpu.assume_multiple %squeeze3A_296, 8 : i32
      %slice3A_298 = vector.extract_strided_slice %and3A_24 {offsets = [8], sizes = [1], strides = [1]} : vector<16xi32> to vector<1xi32>
      %squeeze3A_299 = vector.extract %slice3A_298[0] : i32 from vector<1xi32>
      %multiple_of3A_300 = tpu.assume_multiple %squeeze3A_299, 128 : i32
      %dma_start3A_301 = arith.constant 8 : i32
      %dma_start3A_302 = arith.constant 0 : i32
      %dma_start3A_303 = arith.constant 0 : i32
      %dma_start3A_304 = tpu.memref_slice %arg11[%dma_start3A_301, %dma_start3A_302, %dma_start3A_303] : memref<16x8x128xf32, #tpu.memory_space<vmem>> -> memref<1x8x128xf32, #tpu.memory_space<vmem>>
      %dma_start3A_305 = tpu.memref_squeeze %dma_start3A_304 : memref<1x8x128xf32, #tpu.memory_space<vmem>> -> memref<8x128xf32, #tpu.memory_space<vmem>>
      %dma_start3A_306 = tpu.memref_slice %arg6[%multiple_of3A_297, %multiple_of3A_300] : memref<2912x20000xf32, #tpu.memory_space<hbm>> -> memref<8x128xf32, #tpu.memory_space<hbm>>
      %dma_start3A_307 = arith.constant 0 : i32
      %dma_start3A_308 = arith.constant 0 : i32
      %dma_start3A_309 = tpu.memref_slice %arg11[%dma_start3A_301, %dma_start3A_307, %dma_start3A_308] : memref<16x8x128xf32, #tpu.memory_space<vmem>> -> memref<1x8x128xf32, #tpu.memory_space<vmem>>
      %dma_start3A_310 = tpu.memref_squeeze %dma_start3A_309 : memref<1x8x128xf32, #tpu.memory_space<vmem>> -> memref<8x128xf32, #tpu.memory_space<vmem>>
      %dma_start3A_311 = tpu.memref_slice %arg6[%multiple_of3A_297, %multiple_of3A_300] : memref<2912x20000xf32, #tpu.memory_space<hbm>> -> memref<8x128xf32, #tpu.memory_space<hbm>>
      tpu.enqueue_dma source(%dma_start3A_311 : memref<8x128xf32, #tpu.memory_space<hbm>>) target(%dma_start3A_310 : memref<8x128xf32, #tpu.memory_space<vmem>>) target_semaphore(%arg16 : memref<!tpu.dma_semaphore, #tpu.memory_space<semaphore_mem>>)
      %dma_start3A_312 = arith.constant 8 : i32
      %dma_start3A_313 = arith.constant 0 : i32
      %dma_start3A_314 = arith.constant 0 : i32
      %dma_start3A_315 = tpu.memref_slice %arg13[%dma_start3A_312, %dma_start3A_313, %dma_start3A_314] : memref<16x4x128xf32, #tpu.memory_space<vmem>> -> memref<1x4x128xf32, #tpu.memory_space<vmem>>
      %dma_start3A_316 = tpu.memref_squeeze %dma_start3A_315 : memref<1x4x128xf32, #tpu.memory_space<vmem>> -> memref<4x128xf32, #tpu.memory_space<vmem>>
      %dma_start3A_317 = arith.constant 0 : i32
      %dma_start3A_318 = tpu.memref_slice %arg5[%squeeze3A_294, %dma_start3A_317, %multiple_of3A_300] : memref<32x4x20000xf32, #tpu.memory_space<hbm>> -> memref<1x4x128xf32, #tpu.memory_space<hbm>>
      %dma_start3A_319 = tpu.memref_squeeze %dma_start3A_318 : memref<1x4x128xf32, #tpu.memory_space<hbm>> -> memref<4x128xf32, #tpu.memory_space<hbm>>
      %dma_start3A_320 = arith.constant 0 : i32
      %dma_start3A_321 = arith.constant 0 : i32
      %dma_start3A_322 = tpu.memref_slice %arg13[%dma_start3A_312, %dma_start3A_320, %dma_start3A_321] : memref<16x4x128xf32, #tpu.memory_space<vmem>> -> memref<1x4x128xf32, #tpu.memory_space<vmem>>
      %dma_start3A_323 = tpu.memref_squeeze %dma_start3A_322 : memref<1x4x128xf32, #tpu.memory_space<vmem>> -> memref<4x128xf32, #tpu.memory_space<vmem>>
      %dma_start3A_324 = arith.constant 0 : i32
      %dma_start3A_325 = tpu.memref_slice %arg5[%squeeze3A_294, %dma_start3A_324, %multiple_of3A_300] : memref<32x4x20000xf32, #tpu.memory_space<hbm>> -> memref<1x4x128xf32, #tpu.memory_space<hbm>>
      %dma_start3A_326 = tpu.memref_squeeze %dma_start3A_325 : memref<1x4x128xf32, #tpu.memory_space<hbm>> -> memref<4x128xf32, #tpu.memory_space<hbm>>
      tpu.enqueue_dma source(%dma_start3A_326 : memref<4x128xf32, #tpu.memory_space<hbm>>) target(%dma_start3A_323 : memref<4x128xf32, #tpu.memory_space<vmem>>) target_semaphore(%arg16 : memref<!tpu.dma_semaphore, #tpu.memory_space<semaphore_mem>>)
      %slice3A_327 = vector.extract_strided_slice %get3A_11 {offsets = [9], sizes = [1], strides = [1]} : vector<16xi32> to vector<1xi32>
      %squeeze3A_328 = vector.extract %slice3A_327[0] : i32 from vector<1xi32>
      %slice3A_329 = vector.extract_strided_slice %and3A_21 {offsets = [9], sizes = [1], strides = [1]} : vector<16xi32> to vector<1xi32>
      %squeeze3A_330 = vector.extract %slice3A_329[0] : i32 from vector<1xi32>
      %multiple_of3A_331 = tpu.assume_multiple %squeeze3A_330, 8 : i32
      %slice3A_332 = vector.extract_strided_slice %and3A_24 {offsets = [9], sizes = [1], strides = [1]} : vector<16xi32> to vector<1xi32>
      %squeeze3A_333 = vector.extract %slice3A_332[0] : i32 from vector<1xi32>
      %multiple_of3A_334 = tpu.assume_multiple %squeeze3A_333, 128 : i32
      %dma_start3A_335 = arith.constant 9 : i32
      %dma_start3A_336 = arith.constant 0 : i32
      %dma_start3A_337 = arith.constant 0 : i32
      %dma_start3A_338 = tpu.memref_slice %arg11[%dma_start3A_335, %dma_start3A_336, %dma_start3A_337] : memref<16x8x128xf32, #tpu.memory_space<vmem>> -> memref<1x8x128xf32, #tpu.memory_space<vmem>>
      %dma_start3A_339 = tpu.memref_squeeze %dma_start3A_338 : memref<1x8x128xf32, #tpu.memory_space<vmem>> -> memref<8x128xf32, #tpu.memory_space<vmem>>
      %dma_start3A_340 = tpu.memref_slice %arg6[%multiple_of3A_331, %multiple_of3A_334] : memref<2912x20000xf32, #tpu.memory_space<hbm>> -> memref<8x128xf32, #tpu.memory_space<hbm>>
      %dma_start3A_341 = arith.constant 0 : i32
      %dma_start3A_342 = arith.constant 0 : i32
      %dma_start3A_343 = tpu.memref_slice %arg11[%dma_start3A_335, %dma_start3A_341, %dma_start3A_342] : memref<16x8x128xf32, #tpu.memory_space<vmem>> -> memref<1x8x128xf32, #tpu.memory_space<vmem>>
      %dma_start3A_344 = tpu.memref_squeeze %dma_start3A_343 : memref<1x8x128xf32, #tpu.memory_space<vmem>> -> memref<8x128xf32, #tpu.memory_space<vmem>>
      %dma_start3A_345 = tpu.memref_slice %arg6[%multiple_of3A_331, %multiple_of3A_334] : memref<2912x20000xf32, #tpu.memory_space<hbm>> -> memref<8x128xf32, #tpu.memory_space<hbm>>
      tpu.enqueue_dma source(%dma_start3A_345 : memref<8x128xf32, #tpu.memory_space<hbm>>) target(%dma_start3A_344 : memref<8x128xf32, #tpu.memory_space<vmem>>) target_semaphore(%arg16 : memref<!tpu.dma_semaphore, #tpu.memory_space<semaphore_mem>>)
      %dma_start3A_346 = arith.constant 9 : i32
      %dma_start3A_347 = arith.constant 0 : i32
      %dma_start3A_348 = arith.constant 0 : i32
      %dma_start3A_349 = tpu.memref_slice %arg13[%dma_start3A_346, %dma_start3A_347, %dma_start3A_348] : memref<16x4x128xf32, #tpu.memory_space<vmem>> -> memref<1x4x128xf32, #tpu.memory_space<vmem>>
      %dma_start3A_350 = tpu.memref_squeeze %dma_start3A_349 : memref<1x4x128xf32, #tpu.memory_space<vmem>> -> memref<4x128xf32, #tpu.memory_space<vmem>>
      %dma_start3A_351 = arith.constant 0 : i32
      %dma_start3A_352 = tpu.memref_slice %arg5[%squeeze3A_328, %dma_start3A_351, %multiple_of3A_334] : memref<32x4x20000xf32, #tpu.memory_space<hbm>> -> memref<1x4x128xf32, #tpu.memory_space<hbm>>
      %dma_start3A_353 = tpu.memref_squeeze %dma_start3A_352 : memref<1x4x128xf32, #tpu.memory_space<hbm>> -> memref<4x128xf32, #tpu.memory_space<hbm>>
      %dma_start3A_354 = arith.constant 0 : i32
      %dma_start3A_355 = arith.constant 0 : i32
      %dma_start3A_356 = tpu.memref_slice %arg13[%dma_start3A_346, %dma_start3A_354, %dma_start3A_355] : memref<16x4x128xf32, #tpu.memory_space<vmem>> -> memref<1x4x128xf32, #tpu.memory_space<vmem>>
      %dma_start3A_357 = tpu.memref_squeeze %dma_start3A_356 : memref<1x4x128xf32, #tpu.memory_space<vmem>> -> memref<4x128xf32, #tpu.memory_space<vmem>>
      %dma_start3A_358 = arith.constant 0 : i32
      %dma_start3A_359 = tpu.memref_slice %arg5[%squeeze3A_328, %dma_start3A_358, %multiple_of3A_334] : memref<32x4x20000xf32, #tpu.memory_space<hbm>> -> memref<1x4x128xf32, #tpu.memory_space<hbm>>
      %dma_start3A_360 = tpu.memref_squeeze %dma_start3A_359 : memref<1x4x128xf32, #tpu.memory_space<hbm>> -> memref<4x128xf32, #tpu.memory_space<hbm>>
      tpu.enqueue_dma source(%dma_start3A_360 : memref<4x128xf32, #tpu.memory_space<hbm>>) target(%dma_start3A_357 : memref<4x128xf32, #tpu.memory_space<vmem>>) target_semaphore(%arg16 : memref<!tpu.dma_semaphore, #tpu.memory_space<semaphore_mem>>)
      %slice3A_361 = vector.extract_strided_slice %get3A_11 {offsets = [10], sizes = [1], strides = [1]} : vector<16xi32> to vector<1xi32>
      %squeeze3A_362 = vector.extract %slice3A_361[0] : i32 from vector<1xi32>
      %slice3A_363 = vector.extract_strided_slice %and3A_21 {offsets = [10], sizes = [1], strides = [1]} : vector<16xi32> to vector<1xi32>
      %squeeze3A_364 = vector.extract %slice3A_363[0] : i32 from vector<1xi32>
      %multiple_of3A_365 = tpu.assume_multiple %squeeze3A_364, 8 : i32
      %slice3A_366 = vector.extract_strided_slice %and3A_24 {offsets = [10], sizes = [1], strides = [1]} : vector<16xi32> to vector<1xi32>
      %squeeze3A_367 = vector.extract %slice3A_366[0] : i32 from vector<1xi32>
      %multiple_of3A_368 = tpu.assume_multiple %squeeze3A_367, 128 : i32
      %dma_start3A_369 = arith.constant 10 : i32
      %dma_start3A_370 = arith.constant 0 : i32
      %dma_start3A_371 = arith.constant 0 : i32
      %dma_start3A_372 = tpu.memref_slice %arg11[%dma_start3A_369, %dma_start3A_370, %dma_start3A_371] : memref<16x8x128xf32, #tpu.memory_space<vmem>> -> memref<1x8x128xf32, #tpu.memory_space<vmem>>
      %dma_start3A_373 = tpu.memref_squeeze %dma_start3A_372 : memref<1x8x128xf32, #tpu.memory_space<vmem>> -> memref<8x128xf32, #tpu.memory_space<vmem>>
      %dma_start3A_374 = tpu.memref_slice %arg6[%multiple_of3A_365, %multiple_of3A_368] : memref<2912x20000xf32, #tpu.memory_space<hbm>> -> memref<8x128xf32, #tpu.memory_space<hbm>>
      %dma_start3A_375 = arith.constant 0 : i32
      %dma_start3A_376 = arith.constant 0 : i32
      %dma_start3A_377 = tpu.memref_slice %arg11[%dma_start3A_369, %dma_start3A_375, %dma_start3A_376] : memref<16x8x128xf32, #tpu.memory_space<vmem>> -> memref<1x8x128xf32, #tpu.memory_space<vmem>>
      %dma_start3A_378 = tpu.memref_squeeze %dma_start3A_377 : memref<1x8x128xf32, #tpu.memory_space<vmem>> -> memref<8x128xf32, #tpu.memory_space<vmem>>
      %dma_start3A_379 = tpu.memref_slice %arg6[%multiple_of3A_365, %multiple_of3A_368] : memref<2912x20000xf32, #tpu.memory_space<hbm>> -> memref<8x128xf32, #tpu.memory_space<hbm>>
      tpu.enqueue_dma source(%dma_start3A_379 : memref<8x128xf32, #tpu.memory_space<hbm>>) target(%dma_start3A_378 : memref<8x128xf32, #tpu.memory_space<vmem>>) target_semaphore(%arg16 : memref<!tpu.dma_semaphore, #tpu.memory_space<semaphore_mem>>)
      %dma_start3A_380 = arith.constant 10 : i32
      %dma_start3A_381 = arith.constant 0 : i32
      %dma_start3A_382 = arith.constant 0 : i32
      %dma_start3A_383 = tpu.memref_slice %arg13[%dma_start3A_380, %dma_start3A_381, %dma_start3A_382] : memref<16x4x128xf32, #tpu.memory_space<vmem>> -> memref<1x4x128xf32, #tpu.memory_space<vmem>>
      %dma_start3A_384 = tpu.memref_squeeze %dma_start3A_383 : memref<1x4x128xf32, #tpu.memory_space<vmem>> -> memref<4x128xf32, #tpu.memory_space<vmem>>
      %dma_start3A_385 = arith.constant 0 : i32
      %dma_start3A_386 = tpu.memref_slice %arg5[%squeeze3A_362, %dma_start3A_385, %multiple_of3A_368] : memref<32x4x20000xf32, #tpu.memory_space<hbm>> -> memref<1x4x128xf32, #tpu.memory_space<hbm>>
      %dma_start3A_387 = tpu.memref_squeeze %dma_start3A_386 : memref<1x4x128xf32, #tpu.memory_space<hbm>> -> memref<4x128xf32, #tpu.memory_space<hbm>>
      %dma_start3A_388 = arith.constant 0 : i32
      %dma_start3A_389 = arith.constant 0 : i32
      %dma_start3A_390 = tpu.memref_slice %arg13[%dma_start3A_380, %dma_start3A_388, %dma_start3A_389] : memref<16x4x128xf32, #tpu.memory_space<vmem>> -> memref<1x4x128xf32, #tpu.memory_space<vmem>>
      %dma_start3A_391 = tpu.memref_squeeze %dma_start3A_390 : memref<1x4x128xf32, #tpu.memory_space<vmem>> -> memref<4x128xf32, #tpu.memory_space<vmem>>
      %dma_start3A_392 = arith.constant 0 : i32
      %dma_start3A_393 = tpu.memref_slice %arg5[%squeeze3A_362, %dma_start3A_392, %multiple_of3A_368] : memref<32x4x20000xf32, #tpu.memory_space<hbm>> -> memref<1x4x128xf32, #tpu.memory_space<hbm>>
      %dma_start3A_394 = tpu.memref_squeeze %dma_start3A_393 : memref<1x4x128xf32, #tpu.memory_space<hbm>> -> memref<4x128xf32, #tpu.memory_space<hbm>>
      tpu.enqueue_dma source(%dma_start3A_394 : memref<4x128xf32, #tpu.memory_space<hbm>>) target(%dma_start3A_391 : memref<4x128xf32, #tpu.memory_space<vmem>>) target_semaphore(%arg16 : memref<!tpu.dma_semaphore, #tpu.memory_space<semaphore_mem>>)
      %slice3A_395 = vector.extract_strided_slice %get3A_11 {offsets = [11], sizes = [1], strides = [1]} : vector<16xi32> to vector<1xi32>
      %squeeze3A_396 = vector.extract %slice3A_395[0] : i32 from vector<1xi32>
      %slice3A_397 = vector.extract_strided_slice %and3A_21 {offsets = [11], sizes = [1], strides = [1]} : vector<16xi32> to vector<1xi32>
      %squeeze3A_398 = vector.extract %slice3A_397[0] : i32 from vector<1xi32>
      %multiple_of3A_399 = tpu.assume_multiple %squeeze3A_398, 8 : i32
      %slice3A_400 = vector.extract_strided_slice %and3A_24 {offsets = [11], sizes = [1], strides = [1]} : vector<16xi32> to vector<1xi32>
      %squeeze3A_401 = vector.extract %slice3A_400[0] : i32 from vector<1xi32>
      %multiple_of3A_402 = tpu.assume_multiple %squeeze3A_401, 128 : i32
      %dma_start3A_403 = arith.constant 11 : i32
      %dma_start3A_404 = arith.constant 0 : i32
      %dma_start3A_405 = arith.constant 0 : i32
      %dma_start3A_406 = tpu.memref_slice %arg11[%dma_start3A_403, %dma_start3A_404, %dma_start3A_405] : memref<16x8x128xf32, #tpu.memory_space<vmem>> -> memref<1x8x128xf32, #tpu.memory_space<vmem>>
      %dma_start3A_407 = tpu.memref_squeeze %dma_start3A_406 : memref<1x8x128xf32, #tpu.memory_space<vmem>> -> memref<8x128xf32, #tpu.memory_space<vmem>>
      %dma_start3A_408 = tpu.memref_slice %arg6[%multiple_of3A_399, %multiple_of3A_402] : memref<2912x20000xf32, #tpu.memory_space<hbm>> -> memref<8x128xf32, #tpu.memory_space<hbm>>
      %dma_start3A_409 = arith.constant 0 : i32
      %dma_start3A_410 = arith.constant 0 : i32
      %dma_start3A_411 = tpu.memref_slice %arg11[%dma_start3A_403, %dma_start3A_409, %dma_start3A_410] : memref<16x8x128xf32, #tpu.memory_space<vmem>> -> memref<1x8x128xf32, #tpu.memory_space<vmem>>
      %dma_start3A_412 = tpu.memref_squeeze %dma_start3A_411 : memref<1x8x128xf32, #tpu.memory_space<vmem>> -> memref<8x128xf32, #tpu.memory_space<vmem>>
      %dma_start3A_413 = tpu.memref_slice %arg6[%multiple_of3A_399, %multiple_of3A_402] : memref<2912x20000xf32, #tpu.memory_space<hbm>> -> memref<8x128xf32, #tpu.memory_space<hbm>>
      tpu.enqueue_dma source(%dma_start3A_413 : memref<8x128xf32, #tpu.memory_space<hbm>>) target(%dma_start3A_412 : memref<8x128xf32, #tpu.memory_space<vmem>>) target_semaphore(%arg16 : memref<!tpu.dma_semaphore, #tpu.memory_space<semaphore_mem>>)
      %dma_start3A_414 = arith.constant 11 : i32
      %dma_start3A_415 = arith.constant 0 : i32
      %dma_start3A_416 = arith.constant 0 : i32
      %dma_start3A_417 = tpu.memref_slice %arg13[%dma_start3A_414, %dma_start3A_415, %dma_start3A_416] : memref<16x4x128xf32, #tpu.memory_space<vmem>> -> memref<1x4x128xf32, #tpu.memory_space<vmem>>
      %dma_start3A_418 = tpu.memref_squeeze %dma_start3A_417 : memref<1x4x128xf32, #tpu.memory_space<vmem>> -> memref<4x128xf32, #tpu.memory_space<vmem>>
      %dma_start3A_419 = arith.constant 0 : i32
      %dma_start3A_420 = tpu.memref_slice %arg5[%squeeze3A_396, %dma_start3A_419, %multiple_of3A_402] : memref<32x4x20000xf32, #tpu.memory_space<hbm>> -> memref<1x4x128xf32, #tpu.memory_space<hbm>>
      %dma_start3A_421 = tpu.memref_squeeze %dma_start3A_420 : memref<1x4x128xf32, #tpu.memory_space<hbm>> -> memref<4x128xf32, #tpu.memory_space<hbm>>
      %dma_start3A_422 = arith.constant 0 : i32
      %dma_start3A_423 = arith.constant 0 : i32
      %dma_start3A_424 = tpu.memref_slice %arg13[%dma_start3A_414, %dma_start3A_422, %dma_start3A_423] : memref<16x4x128xf32, #tpu.memory_space<vmem>> -> memref<1x4x128xf32, #tpu.memory_space<vmem>>
      %dma_start3A_425 = tpu.memref_squeeze %dma_start3A_424 : memref<1x4x128xf32, #tpu.memory_space<vmem>> -> memref<4x128xf32, #tpu.memory_space<vmem>>
      %dma_start3A_426 = arith.constant 0 : i32
      %dma_start3A_427 = tpu.memref_slice %arg5[%squeeze3A_396, %dma_start3A_426, %multiple_of3A_402] : memref<32x4x20000xf32, #tpu.memory_space<hbm>> -> memref<1x4x128xf32, #tpu.memory_space<hbm>>
      %dma_start3A_428 = tpu.memref_squeeze %dma_start3A_427 : memref<1x4x128xf32, #tpu.memory_space<hbm>> -> memref<4x128xf32, #tpu.memory_space<hbm>>
      tpu.enqueue_dma source(%dma_start3A_428 : memref<4x128xf32, #tpu.memory_space<hbm>>) target(%dma_start3A_425 : memref<4x128xf32, #tpu.memory_space<vmem>>) target_semaphore(%arg16 : memref<!tpu.dma_semaphore, #tpu.memory_space<semaphore_mem>>)
      %slice3A_429 = vector.extract_strided_slice %get3A_11 {offsets = [12], sizes = [1], strides = [1]} : vector<16xi32> to vector<1xi32>
      %squeeze3A_430 = vector.extract %slice3A_429[0] : i32 from vector<1xi32>
      %slice3A_431 = vector.extract_strided_slice %and3A_21 {offsets = [12], sizes = [1], strides = [1]} : vector<16xi32> to vector<1xi32>
      %squeeze3A_432 = vector.extract %slice3A_431[0] : i32 from vector<1xi32>
      %multiple_of3A_433 = tpu.assume_multiple %squeeze3A_432, 8 : i32
      %slice3A_434 = vector.extract_strided_slice %and3A_24 {offsets = [12], sizes = [1], strides = [1]} : vector<16xi32> to vector<1xi32>
      %squeeze3A_435 = vector.extract %slice3A_434[0] : i32 from vector<1xi32>
      %multiple_of3A_436 = tpu.assume_multiple %squeeze3A_435, 128 : i32
      %dma_start3A_437 = arith.constant 12 : i32
      %dma_start3A_438 = arith.constant 0 : i32
      %dma_start3A_439 = arith.constant 0 : i32
      %dma_start3A_440 = tpu.memref_slice %arg11[%dma_start3A_437, %dma_start3A_438, %dma_start3A_439] : memref<16x8x128xf32, #tpu.memory_space<vmem>> -> memref<1x8x128xf32, #tpu.memory_space<vmem>>
      %dma_start3A_441 = tpu.memref_squeeze %dma_start3A_440 : memref<1x8x128xf32, #tpu.memory_space<vmem>> -> memref<8x128xf32, #tpu.memory_space<vmem>>
      %dma_start3A_442 = tpu.memref_slice %arg6[%multiple_of3A_433, %multiple_of3A_436] : memref<2912x20000xf32, #tpu.memory_space<hbm>> -> memref<8x128xf32, #tpu.memory_space<hbm>>
      %dma_start3A_443 = arith.constant 0 : i32
      %dma_start3A_444 = arith.constant 0 : i32
      %dma_start3A_445 = tpu.memref_slice %arg11[%dma_start3A_437, %dma_start3A_443, %dma_start3A_444] : memref<16x8x128xf32, #tpu.memory_space<vmem>> -> memref<1x8x128xf32, #tpu.memory_space<vmem>>
      %dma_start3A_446 = tpu.memref_squeeze %dma_start3A_445 : memref<1x8x128xf32, #tpu.memory_space<vmem>> -> memref<8x128xf32, #tpu.memory_space<vmem>>
      %dma_start3A_447 = tpu.memref_slice %arg6[%multiple_of3A_433, %multiple_of3A_436] : memref<2912x20000xf32, #tpu.memory_space<hbm>> -> memref<8x128xf32, #tpu.memory_space<hbm>>
      tpu.enqueue_dma source(%dma_start3A_447 : memref<8x128xf32, #tpu.memory_space<hbm>>) target(%dma_start3A_446 : memref<8x128xf32, #tpu.memory_space<vmem>>) target_semaphore(%arg16 : memref<!tpu.dma_semaphore, #tpu.memory_space<semaphore_mem>>)
      %dma_start3A_448 = arith.constant 12 : i32
      %dma_start3A_449 = arith.constant 0 : i32
      %dma_start3A_450 = arith.constant 0 : i32
      %dma_start3A_451 = tpu.memref_slice %arg13[%dma_start3A_448, %dma_start3A_449, %dma_start3A_450] : memref<16x4x128xf32, #tpu.memory_space<vmem>> -> memref<1x4x128xf32, #tpu.memory_space<vmem>>
      %dma_start3A_452 = tpu.memref_squeeze %dma_start3A_451 : memref<1x4x128xf32, #tpu.memory_space<vmem>> -> memref<4x128xf32, #tpu.memory_space<vmem>>
      %dma_start3A_453 = arith.constant 0 : i32
      %dma_start3A_454 = tpu.memref_slice %arg5[%squeeze3A_430, %dma_start3A_453, %multiple_of3A_436] : memref<32x4x20000xf32, #tpu.memory_space<hbm>> -> memref<1x4x128xf32, #tpu.memory_space<hbm>>
      %dma_start3A_455 = tpu.memref_squeeze %dma_start3A_454 : memref<1x4x128xf32, #tpu.memory_space<hbm>> -> memref<4x128xf32, #tpu.memory_space<hbm>>
      %dma_start3A_456 = arith.constant 0 : i32
      %dma_start3A_457 = arith.constant 0 : i32
      %dma_start3A_458 = tpu.memref_slice %arg13[%dma_start3A_448, %dma_start3A_456, %dma_start3A_457] : memref<16x4x128xf32, #tpu.memory_space<vmem>> -> memref<1x4x128xf32, #tpu.memory_space<vmem>>
      %dma_start3A_459 = tpu.memref_squeeze %dma_start3A_458 : memref<1x4x128xf32, #tpu.memory_space<vmem>> -> memref<4x128xf32, #tpu.memory_space<vmem>>
      %dma_start3A_460 = arith.constant 0 : i32
      %dma_start3A_461 = tpu.memref_slice %arg5[%squeeze3A_430, %dma_start3A_460, %multiple_of3A_436] : memref<32x4x20000xf32, #tpu.memory_space<hbm>> -> memref<1x4x128xf32, #tpu.memory_space<hbm>>
      %dma_start3A_462 = tpu.memref_squeeze %dma_start3A_461 : memref<1x4x128xf32, #tpu.memory_space<hbm>> -> memref<4x128xf32, #tpu.memory_space<hbm>>
      tpu.enqueue_dma source(%dma_start3A_462 : memref<4x128xf32, #tpu.memory_space<hbm>>) target(%dma_start3A_459 : memref<4x128xf32, #tpu.memory_space<vmem>>) target_semaphore(%arg16 : memref<!tpu.dma_semaphore, #tpu.memory_space<semaphore_mem>>)
      %slice3A_463 = vector.extract_strided_slice %get3A_11 {offsets = [13], sizes = [1], strides = [1]} : vector<16xi32> to vector<1xi32>
      %squeeze3A_464 = vector.extract %slice3A_463[0] : i32 from vector<1xi32>
      %slice3A_465 = vector.extract_strided_slice %and3A_21 {offsets = [13], sizes = [1], strides = [1]} : vector<16xi32> to vector<1xi32>
      %squeeze3A_466 = vector.extract %slice3A_465[0] : i32 from vector<1xi32>
      %multiple_of3A_467 = tpu.assume_multiple %squeeze3A_466, 8 : i32
      %slice3A_468 = vector.extract_strided_slice %and3A_24 {offsets = [13], sizes = [1], strides = [1]} : vector<16xi32> to vector<1xi32>
      %squeeze3A_469 = vector.extract %slice3A_468[0] : i32 from vector<1xi32>
      %multiple_of3A_470 = tpu.assume_multiple %squeeze3A_469, 128 : i32
      %dma_start3A_471 = arith.constant 13 : i32
      %dma_start3A_472 = arith.constant 0 : i32
      %dma_start3A_473 = arith.constant 0 : i32
      %dma_start3A_474 = tpu.memref_slice %arg11[%dma_start3A_471, %dma_start3A_472, %dma_start3A_473] : memref<16x8x128xf32, #tpu.memory_space<vmem>> -> memref<1x8x128xf32, #tpu.memory_space<vmem>>
      %dma_start3A_475 = tpu.memref_squeeze %dma_start3A_474 : memref<1x8x128xf32, #tpu.memory_space<vmem>> -> memref<8x128xf32, #tpu.memory_space<vmem>>
      %dma_start3A_476 = tpu.memref_slice %arg6[%multiple_of3A_467, %multiple_of3A_470] : memref<2912x20000xf32, #tpu.memory_space<hbm>> -> memref<8x128xf32, #tpu.memory_space<hbm>>
      %dma_start3A_477 = arith.constant 0 : i32
      %dma_start3A_478 = arith.constant 0 : i32
      %dma_start3A_479 = tpu.memref_slice %arg11[%dma_start3A_471, %dma_start3A_477, %dma_start3A_478] : memref<16x8x128xf32, #tpu.memory_space<vmem>> -> memref<1x8x128xf32, #tpu.memory_space<vmem>>
      %dma_start3A_480 = tpu.memref_squeeze %dma_start3A_479 : memref<1x8x128xf32, #tpu.memory_space<vmem>> -> memref<8x128xf32, #tpu.memory_space<vmem>>
      %dma_start3A_481 = tpu.memref_slice %arg6[%multiple_of3A_467, %multiple_of3A_470] : memref<2912x20000xf32, #tpu.memory_space<hbm>> -> memref<8x128xf32, #tpu.memory_space<hbm>>
      tpu.enqueue_dma source(%dma_start3A_481 : memref<8x128xf32, #tpu.memory_space<hbm>>) target(%dma_start3A_480 : memref<8x128xf32, #tpu.memory_space<vmem>>) target_semaphore(%arg16 : memref<!tpu.dma_semaphore, #tpu.memory_space<semaphore_mem>>)
      %dma_start3A_482 = arith.constant 13 : i32
      %dma_start3A_483 = arith.constant 0 : i32
      %dma_start3A_484 = arith.constant 0 : i32
      %dma_start3A_485 = tpu.memref_slice %arg13[%dma_start3A_482, %dma_start3A_483, %dma_start3A_484] : memref<16x4x128xf32, #tpu.memory_space<vmem>> -> memref<1x4x128xf32, #tpu.memory_space<vmem>>
      %dma_start3A_486 = tpu.memref_squeeze %dma_start3A_485 : memref<1x4x128xf32, #tpu.memory_space<vmem>> -> memref<4x128xf32, #tpu.memory_space<vmem>>
      %dma_start3A_487 = arith.constant 0 : i32
      %dma_start3A_488 = tpu.memref_slice %arg5[%squeeze3A_464, %dma_start3A_487, %multiple_of3A_470] : memref<32x4x20000xf32, #tpu.memory_space<hbm>> -> memref<1x4x128xf32, #tpu.memory_space<hbm>>
      %dma_start3A_489 = tpu.memref_squeeze %dma_start3A_488 : memref<1x4x128xf32, #tpu.memory_space<hbm>> -> memref<4x128xf32, #tpu.memory_space<hbm>>
      %dma_start3A_490 = arith.constant 0 : i32
      %dma_start3A_491 = arith.constant 0 : i32
      %dma_start3A_492 = tpu.memref_slice %arg13[%dma_start3A_482, %dma_start3A_490, %dma_start3A_491] : memref<16x4x128xf32, #tpu.memory_space<vmem>> -> memref<1x4x128xf32, #tpu.memory_space<vmem>>
      %dma_start3A_493 = tpu.memref_squeeze %dma_start3A_492 : memref<1x4x128xf32, #tpu.memory_space<vmem>> -> memref<4x128xf32, #tpu.memory_space<vmem>>
      %dma_start3A_494 = arith.constant 0 : i32
      %dma_start3A_495 = tpu.memref_slice %arg5[%squeeze3A_464, %dma_start3A_494, %multiple_of3A_470] : memref<32x4x20000xf32, #tpu.memory_space<hbm>> -> memref<1x4x128xf32, #tpu.memory_space<hbm>>
      %dma_start3A_496 = tpu.memref_squeeze %dma_start3A_495 : memref<1x4x128xf32, #tpu.memory_space<hbm>> -> memref<4x128xf32, #tpu.memory_space<hbm>>
      tpu.enqueue_dma source(%dma_start3A_496 : memref<4x128xf32, #tpu.memory_space<hbm>>) target(%dma_start3A_493 : memref<4x128xf32, #tpu.memory_space<vmem>>) target_semaphore(%arg16 : memref<!tpu.dma_semaphore, #tpu.memory_space<semaphore_mem>>)
      %slice3A_497 = vector.extract_strided_slice %get3A_11 {offsets = [14], sizes = [1], strides = [1]} : vector<16xi32> to vector<1xi32>
      %squeeze3A_498 = vector.extract %slice3A_497[0] : i32 from vector<1xi32>
      %slice3A_499 = vector.extract_strided_slice %and3A_21 {offsets = [14], sizes = [1], strides = [1]} : vector<16xi32> to vector<1xi32>
      %squeeze3A_500 = vector.extract %slice3A_499[0] : i32 from vector<1xi32>
      %multiple_of3A_501 = tpu.assume_multiple %squeeze3A_500, 8 : i32
      %slice3A_502 = vector.extract_strided_slice %and3A_24 {offsets = [14], sizes = [1], strides = [1]} : vector<16xi32> to vector<1xi32>
      %squeeze3A_503 = vector.extract %slice3A_502[0] : i32 from vector<1xi32>
      %multiple_of3A_504 = tpu.assume_multiple %squeeze3A_503, 128 : i32
      %dma_start3A_505 = arith.constant 14 : i32
      %dma_start3A_506 = arith.constant 0 : i32
      %dma_start3A_507 = arith.constant 0 : i32
      %dma_start3A_508 = tpu.memref_slice %arg11[%dma_start3A_505, %dma_start3A_506, %dma_start3A_507] : memref<16x8x128xf32, #tpu.memory_space<vmem>> -> memref<1x8x128xf32, #tpu.memory_space<vmem>>
      %dma_start3A_509 = tpu.memref_squeeze %dma_start3A_508 : memref<1x8x128xf32, #tpu.memory_space<vmem>> -> memref<8x128xf32, #tpu.memory_space<vmem>>
      %dma_start3A_510 = tpu.memref_slice %arg6[%multiple_of3A_501, %multiple_of3A_504] : memref<2912x20000xf32, #tpu.memory_space<hbm>> -> memref<8x128xf32, #tpu.memory_space<hbm>>
      %dma_start3A_511 = arith.constant 0 : i32
      %dma_start3A_512 = arith.constant 0 : i32
      %dma_start3A_513 = tpu.memref_slice %arg11[%dma_start3A_505, %dma_start3A_511, %dma_start3A_512] : memref<16x8x128xf32, #tpu.memory_space<vmem>> -> memref<1x8x128xf32, #tpu.memory_space<vmem>>
      %dma_start3A_514 = tpu.memref_squeeze %dma_start3A_513 : memref<1x8x128xf32, #tpu.memory_space<vmem>> -> memref<8x128xf32, #tpu.memory_space<vmem>>
      %dma_start3A_515 = tpu.memref_slice %arg6[%multiple_of3A_501, %multiple_of3A_504] : memref<2912x20000xf32, #tpu.memory_space<hbm>> -> memref<8x128xf32, #tpu.memory_space<hbm>>
      tpu.enqueue_dma source(%dma_start3A_515 : memref<8x128xf32, #tpu.memory_space<hbm>>) target(%dma_start3A_514 : memref<8x128xf32, #tpu.memory_space<vmem>>) target_semaphore(%arg16 : memref<!tpu.dma_semaphore, #tpu.memory_space<semaphore_mem>>)
      %dma_start3A_516 = arith.constant 14 : i32
      %dma_start3A_517 = arith.constant 0 : i32
      %dma_start3A_518 = arith.constant 0 : i32
      %dma_start3A_519 = tpu.memref_slice %arg13[%dma_start3A_516, %dma_start3A_517, %dma_start3A_518] : memref<16x4x128xf32, #tpu.memory_space<vmem>> -> memref<1x4x128xf32, #tpu.memory_space<vmem>>
      %dma_start3A_520 = tpu.memref_squeeze %dma_start3A_519 : memref<1x4x128xf32, #tpu.memory_space<vmem>> -> memref<4x128xf32, #tpu.memory_space<vmem>>
      %dma_start3A_521 = arith.constant 0 : i32
      %dma_start3A_522 = tpu.memref_slice %arg5[%squeeze3A_498, %dma_start3A_521, %multiple_of3A_504] : memref<32x4x20000xf32, #tpu.memory_space<hbm>> -> memref<1x4x128xf32, #tpu.memory_space<hbm>>
      %dma_start3A_523 = tpu.memref_squeeze %dma_start3A_522 : memref<1x4x128xf32, #tpu.memory_space<hbm>> -> memref<4x128xf32, #tpu.memory_space<hbm>>
      %dma_start3A_524 = arith.constant 0 : i32
      %dma_start3A_525 = arith.constant 0 : i32
      %dma_start3A_526 = tpu.memref_slice %arg13[%dma_start3A_516, %dma_start3A_524, %dma_start3A_525] : memref<16x4x128xf32, #tpu.memory_space<vmem>> -> memref<1x4x128xf32, #tpu.memory_space<vmem>>
      %dma_start3A_527 = tpu.memref_squeeze %dma_start3A_526 : memref<1x4x128xf32, #tpu.memory_space<vmem>> -> memref<4x128xf32, #tpu.memory_space<vmem>>
      %dma_start3A_528 = arith.constant 0 : i32
      %dma_start3A_529 = tpu.memref_slice %arg5[%squeeze3A_498, %dma_start3A_528, %multiple_of3A_504] : memref<32x4x20000xf32, #tpu.memory_space<hbm>> -> memref<1x4x128xf32, #tpu.memory_space<hbm>>
      %dma_start3A_530 = tpu.memref_squeeze %dma_start3A_529 : memref<1x4x128xf32, #tpu.memory_space<hbm>> -> memref<4x128xf32, #tpu.memory_space<hbm>>
      tpu.enqueue_dma source(%dma_start3A_530 : memref<4x128xf32, #tpu.memory_space<hbm>>) target(%dma_start3A_527 : memref<4x128xf32, #tpu.memory_space<vmem>>) target_semaphore(%arg16 : memref<!tpu.dma_semaphore, #tpu.memory_space<semaphore_mem>>)
      %slice3A_531 = vector.extract_strided_slice %get3A_11 {offsets = [15], sizes = [1], strides = [1]} : vector<16xi32> to vector<1xi32>
      %squeeze3A_532 = vector.extract %slice3A_531[0] : i32 from vector<1xi32>
      %slice3A_533 = vector.extract_strided_slice %and3A_21 {offsets = [15], sizes = [1], strides = [1]} : vector<16xi32> to vector<1xi32>
      %squeeze3A_534 = vector.extract %slice3A_533[0] : i32 from vector<1xi32>
      %multiple_of3A_535 = tpu.assume_multiple %squeeze3A_534, 8 : i32
      %slice3A_536 = vector.extract_strided_slice %and3A_24 {offsets = [15], sizes = [1], strides = [1]} : vector<16xi32> to vector<1xi32>
      %squeeze3A_537 = vector.extract %slice3A_536[0] : i32 from vector<1xi32>
      %multiple_of3A_538 = tpu.assume_multiple %squeeze3A_537, 128 : i32
      %dma_start3A_539 = arith.constant 15 : i32
      %dma_start3A_540 = arith.constant 0 : i32
      %dma_start3A_541 = arith.constant 0 : i32
      %dma_start3A_542 = tpu.memref_slice %arg11[%dma_start3A_539, %dma_start3A_540, %dma_start3A_541] : memref<16x8x128xf32, #tpu.memory_space<vmem>> -> memref<1x8x128xf32, #tpu.memory_space<vmem>>
      %dma_start3A_543 = tpu.memref_squeeze %dma_start3A_542 : memref<1x8x128xf32, #tpu.memory_space<vmem>> -> memref<8x128xf32, #tpu.memory_space<vmem>>
      %dma_start3A_544 = tpu.memref_slice %arg6[%multiple_of3A_535, %multiple_of3A_538] : memref<2912x20000xf32, #tpu.memory_space<hbm>> -> memref<8x128xf32, #tpu.memory_space<hbm>>
      %dma_start3A_545 = arith.constant 0 : i32
      %dma_start3A_546 = arith.constant 0 : i32
      %dma_start3A_547 = tpu.memref_slice %arg11[%dma_start3A_539, %dma_start3A_545, %dma_start3A_546] : memref<16x8x128xf32, #tpu.memory_space<vmem>> -> memref<1x8x128xf32, #tpu.memory_space<vmem>>
      %dma_start3A_548 = tpu.memref_squeeze %dma_start3A_547 : memref<1x8x128xf32, #tpu.memory_space<vmem>> -> memref<8x128xf32, #tpu.memory_space<vmem>>
      %dma_start3A_549 = tpu.memref_slice %arg6[%multiple_of3A_535, %multiple_of3A_538] : memref<2912x20000xf32, #tpu.memory_space<hbm>> -> memref<8x128xf32, #tpu.memory_space<hbm>>
      tpu.enqueue_dma source(%dma_start3A_549 : memref<8x128xf32, #tpu.memory_space<hbm>>) target(%dma_start3A_548 : memref<8x128xf32, #tpu.memory_space<vmem>>) target_semaphore(%arg16 : memref<!tpu.dma_semaphore, #tpu.memory_space<semaphore_mem>>)
      %dma_start3A_550 = arith.constant 15 : i32
      %dma_start3A_551 = arith.constant 0 : i32
      %dma_start3A_552 = arith.constant 0 : i32
      %dma_start3A_553 = tpu.memref_slice %arg13[%dma_start3A_550, %dma_start3A_551, %dma_start3A_552] : memref<16x4x128xf32, #tpu.memory_space<vmem>> -> memref<1x4x128xf32, #tpu.memory_space<vmem>>
      %dma_start3A_554 = tpu.memref_squeeze %dma_start3A_553 : memref<1x4x128xf32, #tpu.memory_space<vmem>> -> memref<4x128xf32, #tpu.memory_space<vmem>>
      %dma_start3A_555 = arith.constant 0 : i32
      %dma_start3A_556 = tpu.memref_slice %arg5[%squeeze3A_532, %dma_start3A_555, %multiple_of3A_538] : memref<32x4x20000xf32, #tpu.memory_space<hbm>> -> memref<1x4x128xf32, #tpu.memory_space<hbm>>
      %dma_start3A_557 = tpu.memref_squeeze %dma_start3A_556 : memref<1x4x128xf32, #tpu.memory_space<hbm>> -> memref<4x128xf32, #tpu.memory_space<hbm>>
      %dma_start3A_558 = arith.constant 0 : i32
      %dma_start3A_559 = arith.constant 0 : i32
      %dma_start3A_560 = tpu.memref_slice %arg13[%dma_start3A_550, %dma_start3A_558, %dma_start3A_559] : memref<16x4x128xf32, #tpu.memory_space<vmem>> -> memref<1x4x128xf32, #tpu.memory_space<vmem>>
      %dma_start3A_561 = tpu.memref_squeeze %dma_start3A_560 : memref<1x4x128xf32, #tpu.memory_space<vmem>> -> memref<4x128xf32, #tpu.memory_space<vmem>>
      %dma_start3A_562 = arith.constant 0 : i32
      %dma_start3A_563 = tpu.memref_slice %arg5[%squeeze3A_532, %dma_start3A_562, %multiple_of3A_538] : memref<32x4x20000xf32, #tpu.memory_space<hbm>> -> memref<1x4x128xf32, #tpu.memory_space<hbm>>
      %dma_start3A_564 = tpu.memref_squeeze %dma_start3A_563 : memref<1x4x128xf32, #tpu.memory_space<hbm>> -> memref<4x128xf32, #tpu.memory_space<hbm>>
      tpu.enqueue_dma source(%dma_start3A_564 : memref<4x128xf32, #tpu.memory_space<hbm>>) target(%dma_start3A_561 : memref<4x128xf32, #tpu.memory_space<vmem>>) target_semaphore(%arg16 : memref<!tpu.dma_semaphore, #tpu.memory_space<semaphore_mem>>)
      %convert_element_type3A = arith.sitofp %get3A_11 : vector<16xi32> to vector<16xf32>
      %swap3A = arith.constant 0 : i32
      %swap3A_565 = arith.index_cast %swap3A : i32 to index
      %swap3A_566 = arith.index_cast %mul3A_10 : i32 to index
      %swap3A_567 = tpu.vector_load %arg15[%swap3A_565, %swap3A_566] {strides = array<i32>} : memref<8x512xf32, #tpu.memory_space<vmem>>, vector<16xf32>,
      tpu.vector_store %arg15[%swap3A_565, %swap3A_566], %convert_element_type3A {strides = array<i32>} : memref<8x512xf32, #tpu.memory_space<vmem>>, vector<16xf32>,
      %convert_element_type3A_568 = arith.sitofp %get3A_13 : vector<16xi32> to vector<16xf32>
      %swap3A_569 = arith.constant 6 : i32
      %swap3A_570 = arith.index_cast %swap3A_569 : i32 to index
      %swap3A_571 = arith.index_cast %mul3A_10 : i32 to index
      %swap3A_572 = tpu.vector_load %arg15[%swap3A_570, %swap3A_571] {strides = array<i32>} : memref<8x512xf32, #tpu.memory_space<vmem>>, vector<16xf32>,
      tpu.vector_store %arg15[%swap3A_570, %swap3A_571], %convert_element_type3A_568 {strides = array<i32>} : memref<8x512xf32, #tpu.memory_space<vmem>>, vector<16xf32>,
      %mul3A_573 = arith.constant 16 : i32
      %mul3A_574 = arith.muli %scan3A_8, %mul3A_573 : i32
      %dma_wait3A = arith.constant 0 : i32
      %dma_wait3A_575 = arith.constant 0 : i32
      %dma_wait3A_576 = arith.constant 0 : i32
      %dma_wait3A_577 = tpu.memref_slice %arg11[%dma_wait3A, %dma_wait3A_575, %dma_wait3A_576] : memref<16x8x128xf32, #tpu.memory_space<vmem>> -> memref<1x8x128xf32, #tpu.memory_space<vmem>>
      %dma_wait3A_578 = tpu.memref_squeeze %dma_wait3A_577 : memref<1x8x128xf32, #tpu.memory_space<vmem>> -> memref<8x128xf32, #tpu.memory_space<vmem>>
      %dma_wait3A_579 = tpu.memref_slice %arg6[%multiple_of3A, %multiple_of3A_29] : memref<2912x20000xf32, #tpu.memory_space<hbm>> -> memref<8x128xf32, #tpu.memory_space<hbm>>
      %dma_wait3A_580 = arith.constant 0 : i32
      %dma_wait3A_581 = arith.constant 0 : i32
      %dma_wait3A_582 = tpu.memref_slice %arg11[%dma_wait3A, %dma_wait3A_580, %dma_wait3A_581] : memref<16x8x128xf32, #tpu.memory_space<vmem>> -> memref<1x8x128xf32, #tpu.memory_space<vmem>>
      %dma_wait3A_583 = tpu.memref_squeeze %dma_wait3A_582 : memref<1x8x128xf32, #tpu.memory_space<vmem>> -> memref<8x128xf32, #tpu.memory_space<vmem>>
      %dma_wait3A_584 = tpu.memref_slice %arg6[%multiple_of3A, %multiple_of3A_29] : memref<2912x20000xf32, #tpu.memory_space<hbm>> -> memref<8x128xf32, #tpu.memory_space<hbm>>
      tpu.wait_dma2 semaphore(%arg16 : memref<!tpu.dma_semaphore, #tpu.memory_space<semaphore_mem>>) src(%dma_wait3A_584 : memref<8x128xf32, #tpu.memory_space<hbm>>) dst(%dma_wait3A_583 : memref<8x128xf32, #tpu.memory_space<vmem>>)
      %dma_wait3A_585 = arith.constant 0 : i32
      %dma_wait3A_586 = arith.constant 0 : i32
      %dma_wait3A_587 = arith.constant 0 : i32
      %dma_wait3A_588 = tpu.memref_slice %arg13[%dma_wait3A_585, %dma_wait3A_586, %dma_wait3A_587] : memref<16x4x128xf32, #tpu.memory_space<vmem>> -> memref<1x4x128xf32, #tpu.memory_space<vmem>>
      %dma_wait3A_589 = tpu.memref_squeeze %dma_wait3A_588 : memref<1x4x128xf32, #tpu.memory_space<vmem>> -> memref<4x128xf32, #tpu.memory_space<vmem>>
      %dma_wait3A_590 = arith.constant 0 : i32
      %dma_wait3A_591 = tpu.memref_slice %arg5[%squeeze3A, %dma_wait3A_590, %multiple_of3A_29] : memref<32x4x20000xf32, #tpu.memory_space<hbm>> -> memref<1x4x128xf32, #tpu.memory_space<hbm>>
      %dma_wait3A_592 = tpu.memref_squeeze %dma_wait3A_591 : memref<1x4x128xf32, #tpu.memory_space<hbm>> -> memref<4x128xf32, #tpu.memory_space<hbm>>
      %dma_wait3A_593 = arith.constant 0 : i32
      %dma_wait3A_594 = arith.constant 0 : i32
      %dma_wait3A_595 = tpu.memref_slice %arg13[%dma_wait3A_585, %dma_wait3A_593, %dma_wait3A_594] : memref<16x4x128xf32, #tpu.memory_space<vmem>> -> memref<1x4x128xf32, #tpu.memory_space<vmem>>
      %dma_wait3A_596 = tpu.memref_squeeze %dma_wait3A_595 : memref<1x4x128xf32, #tpu.memory_space<vmem>> -> memref<4x128xf32, #tpu.memory_space<vmem>>
      %dma_wait3A_597 = arith.constant 0 : i32
      %dma_wait3A_598 = tpu.memref_slice %arg5[%squeeze3A, %dma_wait3A_597, %multiple_of3A_29] : memref<32x4x20000xf32, #tpu.memory_space<hbm>> -> memref<1x4x128xf32, #tpu.memory_space<hbm>>
      %dma_wait3A_599 = tpu.memref_squeeze %dma_wait3A_598 : memref<1x4x128xf32, #tpu.memory_space<hbm>> -> memref<4x128xf32, #tpu.memory_space<hbm>>
      tpu.wait_dma2 semaphore(%arg16 : memref<!tpu.dma_semaphore, #tpu.memory_space<semaphore_mem>>) src(%dma_wait3A_599 : memref<4x128xf32, #tpu.memory_space<hbm>>) dst(%dma_wait3A_596 : memref<4x128xf32, #tpu.memory_space<vmem>>)
      %dma_wait3A_600 = arith.constant 1 : i32
      %dma_wait3A_601 = arith.constant 0 : i32
      %dma_wait3A_602 = arith.constant 0 : i32
      %dma_wait3A_603 = tpu.memref_slice %arg11[%dma_wait3A_600, %dma_wait3A_601, %dma_wait3A_602] : memref<16x8x128xf32, #tpu.memory_space<vmem>> -> memref<1x8x128xf32, #tpu.memory_space<vmem>>
      %dma_wait3A_604 = tpu.memref_squeeze %dma_wait3A_603 : memref<1x8x128xf32, #tpu.memory_space<vmem>> -> memref<8x128xf32, #tpu.memory_space<vmem>>
      %dma_wait3A_605 = tpu.memref_slice %arg6[%multiple_of3A_59, %multiple_of3A_62] : memref<2912x20000xf32, #tpu.memory_space<hbm>> -> memref<8x128xf32, #tpu.memory_space<hbm>>
      %dma_wait3A_606 = arith.constant 0 : i32
      %dma_wait3A_607 = arith.constant 0 : i32
      %dma_wait3A_608 = tpu.memref_slice %arg11[%dma_wait3A_600, %dma_wait3A_606, %dma_wait3A_607] : memref<16x8x128xf32, #tpu.memory_space<vmem>> -> memref<1x8x128xf32, #tpu.memory_space<vmem>>
      %dma_wait3A_609 = tpu.memref_squeeze %dma_wait3A_608 : memref<1x8x128xf32, #tpu.memory_space<vmem>> -> memref<8x128xf32, #tpu.memory_space<vmem>>
      %dma_wait3A_610 = tpu.memref_slice %arg6[%multiple_of3A_59, %multiple_of3A_62] : memref<2912x20000xf32, #tpu.memory_space<hbm>> -> memref<8x128xf32, #tpu.memory_space<hbm>>
      tpu.wait_dma2 semaphore(%arg16 : memref<!tpu.dma_semaphore, #tpu.memory_space<semaphore_mem>>) src(%dma_wait3A_610 : memref<8x128xf32, #tpu.memory_space<hbm>>) dst(%dma_wait3A_609 : memref<8x128xf32, #tpu.memory_space<vmem>>)
      %dma_wait3A_611 = arith.constant 1 : i32
      %dma_wait3A_612 = arith.constant 0 : i32
      %dma_wait3A_613 = arith.constant 0 : i32
      %dma_wait3A_614 = tpu.memref_slice %arg13[%dma_wait3A_611, %dma_wait3A_612, %dma_wait3A_613] : memref<16x4x128xf32, #tpu.memory_space<vmem>> -> memref<1x4x128xf32, #tpu.memory_space<vmem>>
      %dma_wait3A_615 = tpu.memref_squeeze %dma_wait3A_614 : memref<1x4x128xf32, #tpu.memory_space<vmem>> -> memref<4x128xf32, #tpu.memory_space<vmem>>
      %dma_wait3A_616 = arith.constant 0 : i32
      %dma_wait3A_617 = tpu.memref_slice %arg5[%squeeze3A_56, %dma_wait3A_616, %multiple_of3A_62] : memref<32x4x20000xf32, #tpu.memory_space<hbm>> -> memref<1x4x128xf32, #tpu.memory_space<hbm>>
      %dma_wait3A_618 = tpu.memref_squeeze %dma_wait3A_617 : memref<1x4x128xf32, #tpu.memory_space<hbm>> -> memref<4x128xf32, #tpu.memory_space<hbm>>
      %dma_wait3A_619 = arith.constant 0 : i32
      %dma_wait3A_620 = arith.constant 0 : i32
      %dma_wait3A_621 = tpu.memref_slice %arg13[%dma_wait3A_611, %dma_wait3A_619, %dma_wait3A_620] : memref<16x4x128xf32, #tpu.memory_space<vmem>> -> memref<1x4x128xf32, #tpu.memory_space<vmem>>
      %dma_wait3A_622 = tpu.memref_squeeze %dma_wait3A_621 : memref<1x4x128xf32, #tpu.memory_space<vmem>> -> memref<4x128xf32, #tpu.memory_space<vmem>>
      %dma_wait3A_623 = arith.constant 0 : i32
      %dma_wait3A_624 = tpu.memref_slice %arg5[%squeeze3A_56, %dma_wait3A_623, %multiple_of3A_62] : memref<32x4x20000xf32, #tpu.memory_space<hbm>> -> memref<1x4x128xf32, #tpu.memory_space<hbm>>
      %dma_wait3A_625 = tpu.memref_squeeze %dma_wait3A_624 : memref<1x4x128xf32, #tpu.memory_space<hbm>> -> memref<4x128xf32, #tpu.memory_space<hbm>>
      tpu.wait_dma2 semaphore(%arg16 : memref<!tpu.dma_semaphore, #tpu.memory_space<semaphore_mem>>) src(%dma_wait3A_625 : memref<4x128xf32, #tpu.memory_space<hbm>>) dst(%dma_wait3A_622 : memref<4x128xf32, #tpu.memory_space<vmem>>)
      %dma_wait3A_626 = arith.constant 2 : i32
      %dma_wait3A_627 = arith.constant 0 : i32
      %dma_wait3A_628 = arith.constant 0 : i32
      %dma_wait3A_629 = tpu.memref_slice %arg11[%dma_wait3A_626, %dma_wait3A_627, %dma_wait3A_628] : memref<16x8x128xf32, #tpu.memory_space<vmem>> -> memref<1x8x128xf32, #tpu.memory_space<vmem>>
      %dma_wait3A_630 = tpu.memref_squeeze %dma_wait3A_629 : memref<1x8x128xf32, #tpu.memory_space<vmem>> -> memref<8x128xf32, #tpu.memory_space<vmem>>
      %dma_wait3A_631 = tpu.memref_slice %arg6[%multiple_of3A_93, %multiple_of3A_96] : memref<2912x20000xf32, #tpu.memory_space<hbm>> -> memref<8x128xf32, #tpu.memory_space<hbm>>
      %dma_wait3A_632 = arith.constant 0 : i32
      %dma_wait3A_633 = arith.constant 0 : i32
      %dma_wait3A_634 = tpu.memref_slice %arg11[%dma_wait3A_626, %dma_wait3A_632, %dma_wait3A_633] : memref<16x8x128xf32, #tpu.memory_space<vmem>> -> memref<1x8x128xf32, #tpu.memory_space<vmem>>
      %dma_wait3A_635 = tpu.memref_squeeze %dma_wait3A_634 : memref<1x8x128xf32, #tpu.memory_space<vmem>> -> memref<8x128xf32, #tpu.memory_space<vmem>>
      %dma_wait3A_636 = tpu.memref_slice %arg6[%multiple_of3A_93, %multiple_of3A_96] : memref<2912x20000xf32, #tpu.memory_space<hbm>> -> memref<8x128xf32, #tpu.memory_space<hbm>>
      tpu.wait_dma2 semaphore(%arg16 : memref<!tpu.dma_semaphore, #tpu.memory_space<semaphore_mem>>) src(%dma_wait3A_636 : memref<8x128xf32, #tpu.memory_space<hbm>>) dst(%dma_wait3A_635 : memref<8x128xf32, #tpu.memory_space<vmem>>)
      %dma_wait3A_637 = arith.constant 2 : i32
      %dma_wait3A_638 = arith.constant 0 : i32
      %dma_wait3A_639 = arith.constant 0 : i32
      %dma_wait3A_640 = tpu.memref_slice %arg13[%dma_wait3A_637, %dma_wait3A_638, %dma_wait3A_639] : memref<16x4x128xf32, #tpu.memory_space<vmem>> -> memref<1x4x128xf32, #tpu.memory_space<vmem>>
      %dma_wait3A_641 = tpu.memref_squeeze %dma_wait3A_640 : memref<1x4x128xf32, #tpu.memory_space<vmem>> -> memref<4x128xf32, #tpu.memory_space<vmem>>
      %dma_wait3A_642 = arith.constant 0 : i32
      %dma_wait3A_643 = tpu.memref_slice %arg5[%squeeze3A_90, %dma_wait3A_642, %multiple_of3A_96] : memref<32x4x20000xf32, #tpu.memory_space<hbm>> -> memref<1x4x128xf32, #tpu.memory_space<hbm>>
      %dma_wait3A_644 = tpu.memref_squeeze %dma_wait3A_643 : memref<1x4x128xf32, #tpu.memory_space<hbm>> -> memref<4x128xf32, #tpu.memory_space<hbm>>
      %dma_wait3A_645 = arith.constant 0 : i32
      %dma_wait3A_646 = arith.constant 0 : i32
      %dma_wait3A_647 = tpu.memref_slice %arg13[%dma_wait3A_637, %dma_wait3A_645, %dma_wait3A_646] : memref<16x4x128xf32, #tpu.memory_space<vmem>> -> memref<1x4x128xf32, #tpu.memory_space<vmem>>
      %dma_wait3A_648 = tpu.memref_squeeze %dma_wait3A_647 : memref<1x4x128xf32, #tpu.memory_space<vmem>> -> memref<4x128xf32, #tpu.memory_space<vmem>>
      %dma_wait3A_649 = arith.constant 0 : i32
      %dma_wait3A_650 = tpu.memref_slice %arg5[%squeeze3A_90, %dma_wait3A_649, %multiple_of3A_96] : memref<32x4x20000xf32, #tpu.memory_space<hbm>> -> memref<1x4x128xf32, #tpu.memory_space<hbm>>
      %dma_wait3A_651 = tpu.memref_squeeze %dma_wait3A_650 : memref<1x4x128xf32, #tpu.memory_space<hbm>> -> memref<4x128xf32, #tpu.memory_space<hbm>>
      tpu.wait_dma2 semaphore(%arg16 : memref<!tpu.dma_semaphore, #tpu.memory_space<semaphore_mem>>) src(%dma_wait3A_651 : memref<4x128xf32, #tpu.memory_space<hbm>>) dst(%dma_wait3A_648 : memref<4x128xf32, #tpu.memory_space<vmem>>)
      %dma_wait3A_652 = arith.constant 3 : i32
      %dma_wait3A_653 = arith.constant 0 : i32
      %dma_wait3A_654 = arith.constant 0 : i32
      %dma_wait3A_655 = tpu.memref_slice %arg11[%dma_wait3A_652, %dma_wait3A_653, %dma_wait3A_654] : memref<16x8x128xf32, #tpu.memory_space<vmem>> -> memref<1x8x128xf32, #tpu.memory_space<vmem>>
      %dma_wait3A_656 = tpu.memref_squeeze %dma_wait3A_655 : memref<1x8x128xf32, #tpu.memory_space<vmem>> -> memref<8x128xf32, #tpu.memory_space<vmem>>
      %dma_wait3A_657 = tpu.memref_slice %arg6[%multiple_of3A_127, %multiple_of3A_130] : memref<2912x20000xf32, #tpu.memory_space<hbm>> -> memref<8x128xf32, #tpu.memory_space<hbm>>
      %dma_wait3A_658 = arith.constant 0 : i32
      %dma_wait3A_659 = arith.constant 0 : i32
      %dma_wait3A_660 = tpu.memref_slice %arg11[%dma_wait3A_652, %dma_wait3A_658, %dma_wait3A_659] : memref<16x8x128xf32, #tpu.memory_space<vmem>> -> memref<1x8x128xf32, #tpu.memory_space<vmem>>
      %dma_wait3A_661 = tpu.memref_squeeze %dma_wait3A_660 : memref<1x8x128xf32, #tpu.memory_space<vmem>> -> memref<8x128xf32, #tpu.memory_space<vmem>>
      %dma_wait3A_662 = tpu.memref_slice %arg6[%multiple_of3A_127, %multiple_of3A_130] : memref<2912x20000xf32, #tpu.memory_space<hbm>> -> memref<8x128xf32, #tpu.memory_space<hbm>>
      tpu.wait_dma2 semaphore(%arg16 : memref<!tpu.dma_semaphore, #tpu.memory_space<semaphore_mem>>) src(%dma_wait3A_662 : memref<8x128xf32, #tpu.memory_space<hbm>>) dst(%dma_wait3A_661 : memref<8x128xf32, #tpu.memory_space<vmem>>)
      %dma_wait3A_663 = arith.constant 3 : i32
      %dma_wait3A_664 = arith.constant 0 : i32
      %dma_wait3A_665 = arith.constant 0 : i32
      %dma_wait3A_666 = tpu.memref_slice %arg13[%dma_wait3A_663, %dma_wait3A_664, %dma_wait3A_665] : memref<16x4x128xf32, #tpu.memory_space<vmem>> -> memref<1x4x128xf32, #tpu.memory_space<vmem>>
      %dma_wait3A_667 = tpu.memref_squeeze %dma_wait3A_666 : memref<1x4x128xf32, #tpu.memory_space<vmem>> -> memref<4x128xf32, #tpu.memory_space<vmem>>
      %dma_wait3A_668 = arith.constant 0 : i32
      %dma_wait3A_669 = tpu.memref_slice %arg5[%squeeze3A_124, %dma_wait3A_668, %multiple_of3A_130] : memref<32x4x20000xf32, #tpu.memory_space<hbm>> -> memref<1x4x128xf32, #tpu.memory_space<hbm>>
      %dma_wait3A_670 = tpu.memref_squeeze %dma_wait3A_669 : memref<1x4x128xf32, #tpu.memory_space<hbm>> -> memref<4x128xf32, #tpu.memory_space<hbm>>
      %dma_wait3A_671 = arith.constant 0 : i32
      %dma_wait3A_672 = arith.constant 0 : i32
      %dma_wait3A_673 = tpu.memref_slice %arg13[%dma_wait3A_663, %dma_wait3A_671, %dma_wait3A_672] : memref<16x4x128xf32, #tpu.memory_space<vmem>> -> memref<1x4x128xf32, #tpu.memory_space<vmem>>
      %dma_wait3A_674 = tpu.memref_squeeze %dma_wait3A_673 : memref<1x4x128xf32, #tpu.memory_space<vmem>> -> memref<4x128xf32, #tpu.memory_space<vmem>>
      %dma_wait3A_675 = arith.constant 0 : i32
      %dma_wait3A_676 = tpu.memref_slice %arg5[%squeeze3A_124, %dma_wait3A_675, %multiple_of3A_130] : memref<32x4x20000xf32, #tpu.memory_space<hbm>> -> memref<1x4x128xf32, #tpu.memory_space<hbm>>
      %dma_wait3A_677 = tpu.memref_squeeze %dma_wait3A_676 : memref<1x4x128xf32, #tpu.memory_space<hbm>> -> memref<4x128xf32, #tpu.memory_space<hbm>>
      tpu.wait_dma2 semaphore(%arg16 : memref<!tpu.dma_semaphore, #tpu.memory_space<semaphore_mem>>) src(%dma_wait3A_677 : memref<4x128xf32, #tpu.memory_space<hbm>>) dst(%dma_wait3A_674 : memref<4x128xf32, #tpu.memory_space<vmem>>)
      %dma_wait3A_678 = arith.constant 4 : i32
      %dma_wait3A_679 = arith.constant 0 : i32
      %dma_wait3A_680 = arith.constant 0 : i32
      %dma_wait3A_681 = tpu.memref_slice %arg11[%dma_wait3A_678, %dma_wait3A_679, %dma_wait3A_680] : memref<16x8x128xf32, #tpu.memory_space<vmem>> -> memref<1x8x128xf32, #tpu.memory_space<vmem>>
      %dma_wait3A_682 = tpu.memref_squeeze %dma_wait3A_681 : memref<1x8x128xf32, #tpu.memory_space<vmem>> -> memref<8x128xf32, #tpu.memory_space<vmem>>
      %dma_wait3A_683 = tpu.memref_slice %arg6[%multiple_of3A_161, %multiple_of3A_164] : memref<2912x20000xf32, #tpu.memory_space<hbm>> -> memref<8x128xf32, #tpu.memory_space<hbm>>
      %dma_wait3A_684 = arith.constant 0 : i32
      %dma_wait3A_685 = arith.constant 0 : i32
      %dma_wait3A_686 = tpu.memref_slice %arg11[%dma_wait3A_678, %dma_wait3A_684, %dma_wait3A_685] : memref<16x8x128xf32, #tpu.memory_space<vmem>> -> memref<1x8x128xf32, #tpu.memory_space<vmem>>
      %dma_wait3A_687 = tpu.memref_squeeze %dma_wait3A_686 : memref<1x8x128xf32, #tpu.memory_space<vmem>> -> memref<8x128xf32, #tpu.memory_space<vmem>>
      %dma_wait3A_688 = tpu.memref_slice %arg6[%multiple_of3A_161, %multiple_of3A_164] : memref<2912x20000xf32, #tpu.memory_space<hbm>> -> memref<8x128xf32, #tpu.memory_space<hbm>>
      tpu.wait_dma2 semaphore(%arg16 : memref<!tpu.dma_semaphore, #tpu.memory_space<semaphore_mem>>) src(%dma_wait3A_688 : memref<8x128xf32, #tpu.memory_space<hbm>>) dst(%dma_wait3A_687 : memref<8x128xf32, #tpu.memory_space<vmem>>)
      %dma_wait3A_689 = arith.constant 4 : i32
      %dma_wait3A_690 = arith.constant 0 : i32
      %dma_wait3A_691 = arith.constant 0 : i32
      %dma_wait3A_692 = tpu.memref_slice %arg13[%dma_wait3A_689, %dma_wait3A_690, %dma_wait3A_691] : memref<16x4x128xf32, #tpu.memory_space<vmem>> -> memref<1x4x128xf32, #tpu.memory_space<vmem>>
      %dma_wait3A_693 = tpu.memref_squeeze %dma_wait3A_692 : memref<1x4x128xf32, #tpu.memory_space<vmem>> -> memref<4x128xf32, #tpu.memory_space<vmem>>
      %dma_wait3A_694 = arith.constant 0 : i32
      %dma_wait3A_695 = tpu.memref_slice %arg5[%squeeze3A_158, %dma_wait3A_694, %multiple_of3A_164] : memref<32x4x20000xf32, #tpu.memory_space<hbm>> -> memref<1x4x128xf32, #tpu.memory_space<hbm>>
      %dma_wait3A_696 = tpu.memref_squeeze %dma_wait3A_695 : memref<1x4x128xf32, #tpu.memory_space<hbm>> -> memref<4x128xf32, #tpu.memory_space<hbm>>
      %dma_wait3A_697 = arith.constant 0 : i32
      %dma_wait3A_698 = arith.constant 0 : i32
      %dma_wait3A_699 = tpu.memref_slice %arg13[%dma_wait3A_689, %dma_wait3A_697, %dma_wait3A_698] : memref<16x4x128xf32, #tpu.memory_space<vmem>> -> memref<1x4x128xf32, #tpu.memory_space<vmem>>
      %dma_wait3A_700 = tpu.memref_squeeze %dma_wait3A_699 : memref<1x4x128xf32, #tpu.memory_space<vmem>> -> memref<4x128xf32, #tpu.memory_space<vmem>>
      %dma_wait3A_701 = arith.constant 0 : i32
      %dma_wait3A_702 = tpu.memref_slice %arg5[%squeeze3A_158, %dma_wait3A_701, %multiple_of3A_164] : memref<32x4x20000xf32, #tpu.memory_space<hbm>> -> memref<1x4x128xf32, #tpu.memory_space<hbm>>
      %dma_wait3A_703 = tpu.memref_squeeze %dma_wait3A_702 : memref<1x4x128xf32, #tpu.memory_space<hbm>> -> memref<4x128xf32, #tpu.memory_space<hbm>>
      tpu.wait_dma2 semaphore(%arg16 : memref<!tpu.dma_semaphore, #tpu.memory_space<semaphore_mem>>) src(%dma_wait3A_703 : memref<4x128xf32, #tpu.memory_space<hbm>>) dst(%dma_wait3A_700 : memref<4x128xf32, #tpu.memory_space<vmem>>)
      %dma_wait3A_704 = arith.constant 5 : i32
      %dma_wait3A_705 = arith.constant 0 : i32
      %dma_wait3A_706 = arith.constant 0 : i32
      %dma_wait3A_707 = tpu.memref_slice %arg11[%dma_wait3A_704, %dma_wait3A_705, %dma_wait3A_706] : memref<16x8x128xf32, #tpu.memory_space<vmem>> -> memref<1x8x128xf32, #tpu.memory_space<vmem>>
      %dma_wait3A_708 = tpu.memref_squeeze %dma_wait3A_707 : memref<1x8x128xf32, #tpu.memory_space<vmem>> -> memref<8x128xf32, #tpu.memory_space<vmem>>
      %dma_wait3A_709 = tpu.memref_slice %arg6[%multiple_of3A_195, %multiple_of3A_198] : memref<2912x20000xf32, #tpu.memory_space<hbm>> -> memref<8x128xf32, #tpu.memory_space<hbm>>
      %dma_wait3A_710 = arith.constant 0 : i32
      %dma_wait3A_711 = arith.constant 0 : i32
      %dma_wait3A_712 = tpu.memref_slice %arg11[%dma_wait3A_704, %dma_wait3A_710, %dma_wait3A_711] : memref<16x8x128xf32, #tpu.memory_space<vmem>> -> memref<1x8x128xf32, #tpu.memory_space<vmem>>
      %dma_wait3A_713 = tpu.memref_squeeze %dma_wait3A_712 : memref<1x8x128xf32, #tpu.memory_space<vmem>> -> memref<8x128xf32, #tpu.memory_space<vmem>>
      %dma_wait3A_714 = tpu.memref_slice %arg6[%multiple_of3A_195, %multiple_of3A_198] : memref<2912x20000xf32, #tpu.memory_space<hbm>> -> memref<8x128xf32, #tpu.memory_space<hbm>>
      tpu.wait_dma2 semaphore(%arg16 : memref<!tpu.dma_semaphore, #tpu.memory_space<semaphore_mem>>) src(%dma_wait3A_714 : memref<8x128xf32, #tpu.memory_space<hbm>>) dst(%dma_wait3A_713 : memref<8x128xf32, #tpu.memory_space<vmem>>)
      %dma_wait3A_715 = arith.constant 5 : i32
      %dma_wait3A_716 = arith.constant 0 : i32
      %dma_wait3A_717 = arith.constant 0 : i32
      %dma_wait3A_718 = tpu.memref_slice %arg13[%dma_wait3A_715, %dma_wait3A_716, %dma_wait3A_717] : memref<16x4x128xf32, #tpu.memory_space<vmem>> -> memref<1x4x128xf32, #tpu.memory_space<vmem>>
      %dma_wait3A_719 = tpu.memref_squeeze %dma_wait3A_718 : memref<1x4x128xf32, #tpu.memory_space<vmem>> -> memref<4x128xf32, #tpu.memory_space<vmem>>
      %dma_wait3A_720 = arith.constant 0 : i32
      %dma_wait3A_721 = tpu.memref_slice %arg5[%squeeze3A_192, %dma_wait3A_720, %multiple_of3A_198] : memref<32x4x20000xf32, #tpu.memory_space<hbm>> -> memref<1x4x128xf32, #tpu.memory_space<hbm>>
      %dma_wait3A_722 = tpu.memref_squeeze %dma_wait3A_721 : memref<1x4x128xf32, #tpu.memory_space<hbm>> -> memref<4x128xf32, #tpu.memory_space<hbm>>
      %dma_wait3A_723 = arith.constant 0 : i32
      %dma_wait3A_724 = arith.constant 0 : i32
      %dma_wait3A_725 = tpu.memref_slice %arg13[%dma_wait3A_715, %dma_wait3A_723, %dma_wait3A_724] : memref<16x4x128xf32, #tpu.memory_space<vmem>> -> memref<1x4x128xf32, #tpu.memory_space<vmem>>
      %dma_wait3A_726 = tpu.memref_squeeze %dma_wait3A_725 : memref<1x4x128xf32, #tpu.memory_space<vmem>> -> memref<4x128xf32, #tpu.memory_space<vmem>>
      %dma_wait3A_727 = arith.constant 0 : i32
      %dma_wait3A_728 = tpu.memref_slice %arg5[%squeeze3A_192, %dma_wait3A_727, %multiple_of3A_198] : memref<32x4x20000xf32, #tpu.memory_space<hbm>> -> memref<1x4x128xf32, #tpu.memory_space<hbm>>
      %dma_wait3A_729 = tpu.memref_squeeze %dma_wait3A_728 : memref<1x4x128xf32, #tpu.memory_space<hbm>> -> memref<4x128xf32, #tpu.memory_space<hbm>>
      tpu.wait_dma2 semaphore(%arg16 : memref<!tpu.dma_semaphore, #tpu.memory_space<semaphore_mem>>) src(%dma_wait3A_729 : memref<4x128xf32, #tpu.memory_space<hbm>>) dst(%dma_wait3A_726 : memref<4x128xf32, #tpu.memory_space<vmem>>)
      %dma_wait3A_730 = arith.constant 6 : i32
      %dma_wait3A_731 = arith.constant 0 : i32
      %dma_wait3A_732 = arith.constant 0 : i32
      %dma_wait3A_733 = tpu.memref_slice %arg11[%dma_wait3A_730, %dma_wait3A_731, %dma_wait3A_732] : memref<16x8x128xf32, #tpu.memory_space<vmem>> -> memref<1x8x128xf32, #tpu.memory_space<vmem>>
      %dma_wait3A_734 = tpu.memref_squeeze %dma_wait3A_733 : memref<1x8x128xf32, #tpu.memory_space<vmem>> -> memref<8x128xf32, #tpu.memory_space<vmem>>
      %dma_wait3A_735 = tpu.memref_slice %arg6[%multiple_of3A_229, %multiple_of3A_232] : memref<2912x20000xf32, #tpu.memory_space<hbm>> -> memref<8x128xf32, #tpu.memory_space<hbm>>
      %dma_wait3A_736 = arith.constant 0 : i32
      %dma_wait3A_737 = arith.constant 0 : i32
      %dma_wait3A_738 = tpu.memref_slice %arg11[%dma_wait3A_730, %dma_wait3A_736, %dma_wait3A_737] : memref<16x8x128xf32, #tpu.memory_space<vmem>> -> memref<1x8x128xf32, #tpu.memory_space<vmem>>
      %dma_wait3A_739 = tpu.memref_squeeze %dma_wait3A_738 : memref<1x8x128xf32, #tpu.memory_space<vmem>> -> memref<8x128xf32, #tpu.memory_space<vmem>>
      %dma_wait3A_740 = tpu.memref_slice %arg6[%multiple_of3A_229, %multiple_of3A_232] : memref<2912x20000xf32, #tpu.memory_space<hbm>> -> memref<8x128xf32, #tpu.memory_space<hbm>>
      tpu.wait_dma2 semaphore(%arg16 : memref<!tpu.dma_semaphore, #tpu.memory_space<semaphore_mem>>) src(%dma_wait3A_740 : memref<8x128xf32, #tpu.memory_space<hbm>>) dst(%dma_wait3A_739 : memref<8x128xf32, #tpu.memory_space<vmem>>)
      %dma_wait3A_741 = arith.constant 6 : i32
      %dma_wait3A_742 = arith.constant 0 : i32
      %dma_wait3A_743 = arith.constant 0 : i32
      %dma_wait3A_744 = tpu.memref_slice %arg13[%dma_wait3A_741, %dma_wait3A_742, %dma_wait3A_743] : memref<16x4x128xf32, #tpu.memory_space<vmem>> -> memref<1x4x128xf32, #tpu.memory_space<vmem>>
      %dma_wait3A_745 = tpu.memref_squeeze %dma_wait3A_744 : memref<1x4x128xf32, #tpu.memory_space<vmem>> -> memref<4x128xf32, #tpu.memory_space<vmem>>
      %dma_wait3A_746 = arith.constant 0 : i32
      %dma_wait3A_747 = tpu.memref_slice %arg5[%squeeze3A_226, %dma_wait3A_746, %multiple_of3A_232] : memref<32x4x20000xf32, #tpu.memory_space<hbm>> -> memref<1x4x128xf32, #tpu.memory_space<hbm>>
      %dma_wait3A_748 = tpu.memref_squeeze %dma_wait3A_747 : memref<1x4x128xf32, #tpu.memory_space<hbm>> -> memref<4x128xf32, #tpu.memory_space<hbm>>
      %dma_wait3A_749 = arith.constant 0 : i32
      %dma_wait3A_750 = arith.constant 0 : i32
      %dma_wait3A_751 = tpu.memref_slice %arg13[%dma_wait3A_741, %dma_wait3A_749, %dma_wait3A_750] : memref<16x4x128xf32, #tpu.memory_space<vmem>> -> memref<1x4x128xf32, #tpu.memory_space<vmem>>
      %dma_wait3A_752 = tpu.memref_squeeze %dma_wait3A_751 : memref<1x4x128xf32, #tpu.memory_space<vmem>> -> memref<4x128xf32, #tpu.memory_space<vmem>>
      %dma_wait3A_753 = arith.constant 0 : i32
      %dma_wait3A_754 = tpu.memref_slice %arg5[%squeeze3A_226, %dma_wait3A_753, %multiple_of3A_232] : memref<32x4x20000xf32, #tpu.memory_space<hbm>> -> memref<1x4x128xf32, #tpu.memory_space<hbm>>
      %dma_wait3A_755 = tpu.memref_squeeze %dma_wait3A_754 : memref<1x4x128xf32, #tpu.memory_space<hbm>> -> memref<4x128xf32, #tpu.memory_space<hbm>>
      tpu.wait_dma2 semaphore(%arg16 : memref<!tpu.dma_semaphore, #tpu.memory_space<semaphore_mem>>) src(%dma_wait3A_755 : memref<4x128xf32, #tpu.memory_space<hbm>>) dst(%dma_wait3A_752 : memref<4x128xf32, #tpu.memory_space<vmem>>)
      %dma_wait3A_756 = arith.constant 7 : i32
      %dma_wait3A_757 = arith.constant 0 : i32
      %dma_wait3A_758 = arith.constant 0 : i32
      %dma_wait3A_759 = tpu.memref_slice %arg11[%dma_wait3A_756, %dma_wait3A_757, %dma_wait3A_758] : memref<16x8x128xf32, #tpu.memory_space<vmem>> -> memref<1x8x128xf32, #tpu.memory_space<vmem>>
      %dma_wait3A_760 = tpu.memref_squeeze %dma_wait3A_759 : memref<1x8x128xf32, #tpu.memory_space<vmem>> -> memref<8x128xf32, #tpu.memory_space<vmem>>
      %dma_wait3A_761 = tpu.memref_slice %arg6[%multiple_of3A_263, %multiple_of3A_266] : memref<2912x20000xf32, #tpu.memory_space<hbm>> -> memref<8x128xf32, #tpu.memory_space<hbm>>
      %dma_wait3A_762 = arith.constant 0 : i32
      %dma_wait3A_763 = arith.constant 0 : i32
      %dma_wait3A_764 = tpu.memref_slice %arg11[%dma_wait3A_756, %dma_wait3A_762, %dma_wait3A_763] : memref<16x8x128xf32, #tpu.memory_space<vmem>> -> memref<1x8x128xf32, #tpu.memory_space<vmem>>
      %dma_wait3A_765 = tpu.memref_squeeze %dma_wait3A_764 : memref<1x8x128xf32, #tpu.memory_space<vmem>> -> memref<8x128xf32, #tpu.memory_space<vmem>>
      %dma_wait3A_766 = tpu.memref_slice %arg6[%multiple_of3A_263, %multiple_of3A_266] : memref<2912x20000xf32, #tpu.memory_space<hbm>> -> memref<8x128xf32, #tpu.memory_space<hbm>>
      tpu.wait_dma2 semaphore(%arg16 : memref<!tpu.dma_semaphore, #tpu.memory_space<semaphore_mem>>) src(%dma_wait3A_766 : memref<8x128xf32, #tpu.memory_space<hbm>>) dst(%dma_wait3A_765 : memref<8x128xf32, #tpu.memory_space<vmem>>)
      %dma_wait3A_767 = arith.constant 7 : i32
      %dma_wait3A_768 = arith.constant 0 : i32
      %dma_wait3A_769 = arith.constant 0 : i32
      %dma_wait3A_770 = tpu.memref_slice %arg13[%dma_wait3A_767, %dma_wait3A_768, %dma_wait3A_769] : memref<16x4x128xf32, #tpu.memory_space<vmem>> -> memref<1x4x128xf32, #tpu.memory_space<vmem>>
      %dma_wait3A_771 = tpu.memref_squeeze %dma_wait3A_770 : memref<1x4x128xf32, #tpu.memory_space<vmem>> -> memref<4x128xf32, #tpu.memory_space<vmem>>
      %dma_wait3A_772 = arith.constant 0 : i32
      %dma_wait3A_773 = tpu.memref_slice %arg5[%squeeze3A_260, %dma_wait3A_772, %multiple_of3A_266] : memref<32x4x20000xf32, #tpu.memory_space<hbm>> -> memref<1x4x128xf32, #tpu.memory_space<hbm>>
      %dma_wait3A_774 = tpu.memref_squeeze %dma_wait3A_773 : memref<1x4x128xf32, #tpu.memory_space<hbm>> -> memref<4x128xf32, #tpu.memory_space<hbm>>
      %dma_wait3A_775 = arith.constant 0 : i32
      %dma_wait3A_776 = arith.constant 0 : i32
      %dma_wait3A_777 = tpu.memref_slice %arg13[%dma_wait3A_767, %dma_wait3A_775, %dma_wait3A_776] : memref<16x4x128xf32, #tpu.memory_space<vmem>> -> memref<1x4x128xf32, #tpu.memory_space<vmem>>
      %dma_wait3A_778 = tpu.memref_squeeze %dma_wait3A_777 : memref<1x4x128xf32, #tpu.memory_space<vmem>> -> memref<4x128xf32, #tpu.memory_space<vmem>>
      %dma_wait3A_779 = arith.constant 0 : i32
      %dma_wait3A_780 = tpu.memref_slice %arg5[%squeeze3A_260, %dma_wait3A_779, %multiple_of3A_266] : memref<32x4x20000xf32, #tpu.memory_space<hbm>> -> memref<1x4x128xf32, #tpu.memory_space<hbm>>
      %dma_wait3A_781 = tpu.memref_squeeze %dma_wait3A_780 : memref<1x4x128xf32, #tpu.memory_space<hbm>> -> memref<4x128xf32, #tpu.memory_space<hbm>>
      tpu.wait_dma2 semaphore(%arg16 : memref<!tpu.dma_semaphore, #tpu.memory_space<semaphore_mem>>) src(%dma_wait3A_781 : memref<4x128xf32, #tpu.memory_space<hbm>>) dst(%dma_wait3A_778 : memref<4x128xf32, #tpu.memory_space<vmem>>)
      %dma_wait3A_782 = arith.constant 8 : i32
      %dma_wait3A_783 = arith.constant 0 : i32
      %dma_wait3A_784 = arith.constant 0 : i32
      %dma_wait3A_785 = tpu.memref_slice %arg11[%dma_wait3A_782, %dma_wait3A_783, %dma_wait3A_784] : memref<16x8x128xf32, #tpu.memory_space<vmem>> -> memref<1x8x128xf32, #tpu.memory_space<vmem>>
      %dma_wait3A_786 = tpu.memref_squeeze %dma_wait3A_785 : memref<1x8x128xf32, #tpu.memory_space<vmem>> -> memref<8x128xf32, #tpu.memory_space<vmem>>
      %dma_wait3A_787 = tpu.memref_slice %arg6[%multiple_of3A_297, %multiple_of3A_300] : memref<2912x20000xf32, #tpu.memory_space<hbm>> -> memref<8x128xf32, #tpu.memory_space<hbm>>
      %dma_wait3A_788 = arith.constant 0 : i32
      %dma_wait3A_789 = arith.constant 0 : i32
      %dma_wait3A_790 = tpu.memref_slice %arg11[%dma_wait3A_782, %dma_wait3A_788, %dma_wait3A_789] : memref<16x8x128xf32, #tpu.memory_space<vmem>> -> memref<1x8x128xf32, #tpu.memory_space<vmem>>
      %dma_wait3A_791 = tpu.memref_squeeze %dma_wait3A_790 : memref<1x8x128xf32, #tpu.memory_space<vmem>> -> memref<8x128xf32, #tpu.memory_space<vmem>>
      %dma_wait3A_792 = tpu.memref_slice %arg6[%multiple_of3A_297, %multiple_of3A_300] : memref<2912x20000xf32, #tpu.memory_space<hbm>> -> memref<8x128xf32, #tpu.memory_space<hbm>>
      tpu.wait_dma2 semaphore(%arg16 : memref<!tpu.dma_semaphore, #tpu.memory_space<semaphore_mem>>) src(%dma_wait3A_792 : memref<8x128xf32, #tpu.memory_space<hbm>>) dst(%dma_wait3A_791 : memref<8x128xf32, #tpu.memory_space<vmem>>)
      %dma_wait3A_793 = arith.constant 8 : i32
      %dma_wait3A_794 = arith.constant 0 : i32
      %dma_wait3A_795 = arith.constant 0 : i32
      %dma_wait3A_796 = tpu.memref_slice %arg13[%dma_wait3A_793, %dma_wait3A_794, %dma_wait3A_795] : memref<16x4x128xf32, #tpu.memory_space<vmem>> -> memref<1x4x128xf32, #tpu.memory_space<vmem>>
      %dma_wait3A_797 = tpu.memref_squeeze %dma_wait3A_796 : memref<1x4x128xf32, #tpu.memory_space<vmem>> -> memref<4x128xf32, #tpu.memory_space<vmem>>
      %dma_wait3A_798 = arith.constant 0 : i32
      %dma_wait3A_799 = tpu.memref_slice %arg5[%squeeze3A_294, %dma_wait3A_798, %multiple_of3A_300] : memref<32x4x20000xf32, #tpu.memory_space<hbm>> -> memref<1x4x128xf32, #tpu.memory_space<hbm>>
      %dma_wait3A_800 = tpu.memref_squeeze %dma_wait3A_799 : memref<1x4x128xf32, #tpu.memory_space<hbm>> -> memref<4x128xf32, #tpu.memory_space<hbm>>
      %dma_wait3A_801 = arith.constant 0 : i32
      %dma_wait3A_802 = arith.constant 0 : i32
      %dma_wait3A_803 = tpu.memref_slice %arg13[%dma_wait3A_793, %dma_wait3A_801, %dma_wait3A_802] : memref<16x4x128xf32, #tpu.memory_space<vmem>> -> memref<1x4x128xf32, #tpu.memory_space<vmem>>
      %dma_wait3A_804 = tpu.memref_squeeze %dma_wait3A_803 : memref<1x4x128xf32, #tpu.memory_space<vmem>> -> memref<4x128xf32, #tpu.memory_space<vmem>>
      %dma_wait3A_805 = arith.constant 0 : i32
      %dma_wait3A_806 = tpu.memref_slice %arg5[%squeeze3A_294, %dma_wait3A_805, %multiple_of3A_300] : memref<32x4x20000xf32, #tpu.memory_space<hbm>> -> memref<1x4x128xf32, #tpu.memory_space<hbm>>
      %dma_wait3A_807 = tpu.memref_squeeze %dma_wait3A_806 : memref<1x4x128xf32, #tpu.memory_space<hbm>> -> memref<4x128xf32, #tpu.memory_space<hbm>>
      tpu.wait_dma2 semaphore(%arg16 : memref<!tpu.dma_semaphore, #tpu.memory_space<semaphore_mem>>) src(%dma_wait3A_807 : memref<4x128xf32, #tpu.memory_space<hbm>>) dst(%dma_wait3A_804 : memref<4x128xf32, #tpu.memory_space<vmem>>)
      %dma_wait3A_808 = arith.constant 9 : i32
      %dma_wait3A_809 = arith.constant 0 : i32
      %dma_wait3A_810 = arith.constant 0 : i32
      %dma_wait3A_811 = tpu.memref_slice %arg11[%dma_wait3A_808, %dma_wait3A_809, %dma_wait3A_810] : memref<16x8x128xf32, #tpu.memory_space<vmem>> -> memref<1x8x128xf32, #tpu.memory_space<vmem>>
      %dma_wait3A_812 = tpu.memref_squeeze %dma_wait3A_811 : memref<1x8x128xf32, #tpu.memory_space<vmem>> -> memref<8x128xf32, #tpu.memory_space<vmem>>
      %dma_wait3A_813 = tpu.memref_slice %arg6[%multiple_of3A_331, %multiple_of3A_334] : memref<2912x20000xf32, #tpu.memory_space<hbm>> -> memref<8x128xf32, #tpu.memory_space<hbm>>
      %dma_wait3A_814 = arith.constant 0 : i32
      %dma_wait3A_815 = arith.constant 0 : i32
      %dma_wait3A_816 = tpu.memref_slice %arg11[%dma_wait3A_808, %dma_wait3A_814, %dma_wait3A_815] : memref<16x8x128xf32, #tpu.memory_space<vmem>> -> memref<1x8x128xf32, #tpu.memory_space<vmem>>
      %dma_wait3A_817 = tpu.memref_squeeze %dma_wait3A_816 : memref<1x8x128xf32, #tpu.memory_space<vmem>> -> memref<8x128xf32, #tpu.memory_space<vmem>>
      %dma_wait3A_818 = tpu.memref_slice %arg6[%multiple_of3A_331, %multiple_of3A_334] : memref<2912x20000xf32, #tpu.memory_space<hbm>> -> memref<8x128xf32, #tpu.memory_space<hbm>>
      tpu.wait_dma2 semaphore(%arg16 : memref<!tpu.dma_semaphore, #tpu.memory_space<semaphore_mem>>) src(%dma_wait3A_818 : memref<8x128xf32, #tpu.memory_space<hbm>>) dst(%dma_wait3A_817 : memref<8x128xf32, #tpu.memory_space<vmem>>)
      %dma_wait3A_819 = arith.constant 9 : i32
      %dma_wait3A_820 = arith.constant 0 : i32
      %dma_wait3A_821 = arith.constant 0 : i32
      %dma_wait3A_822 = tpu.memref_slice %arg13[%dma_wait3A_819, %dma_wait3A_820, %dma_wait3A_821] : memref<16x4x128xf32, #tpu.memory_space<vmem>> -> memref<1x4x128xf32, #tpu.memory_space<vmem>>
      %dma_wait3A_823 = tpu.memref_squeeze %dma_wait3A_822 : memref<1x4x128xf32, #tpu.memory_space<vmem>> -> memref<4x128xf32, #tpu.memory_space<vmem>>
      %dma_wait3A_824 = arith.constant 0 : i32
      %dma_wait3A_825 = tpu.memref_slice %arg5[%squeeze3A_328, %dma_wait3A_824, %multiple_of3A_334] : memref<32x4x20000xf32, #tpu.memory_space<hbm>> -> memref<1x4x128xf32, #tpu.memory_space<hbm>>
      %dma_wait3A_826 = tpu.memref_squeeze %dma_wait3A_825 : memref<1x4x128xf32, #tpu.memory_space<hbm>> -> memref<4x128xf32, #tpu.memory_space<hbm>>
      %dma_wait3A_827 = arith.constant 0 : i32
      %dma_wait3A_828 = arith.constant 0 : i32
      %dma_wait3A_829 = tpu.memref_slice %arg13[%dma_wait3A_819, %dma_wait3A_827, %dma_wait3A_828] : memref<16x4x128xf32, #tpu.memory_space<vmem>> -> memref<1x4x128xf32, #tpu.memory_space<vmem>>
      %dma_wait3A_830 = tpu.memref_squeeze %dma_wait3A_829 : memref<1x4x128xf32, #tpu.memory_space<vmem>> -> memref<4x128xf32, #tpu.memory_space<vmem>>
      %dma_wait3A_831 = arith.constant 0 : i32
      %dma_wait3A_832 = tpu.memref_slice %arg5[%squeeze3A_328, %dma_wait3A_831, %multiple_of3A_334] : memref<32x4x20000xf32, #tpu.memory_space<hbm>> -> memref<1x4x128xf32, #tpu.memory_space<hbm>>
      %dma_wait3A_833 = tpu.memref_squeeze %dma_wait3A_832 : memref<1x4x128xf32, #tpu.memory_space<hbm>> -> memref<4x128xf32, #tpu.memory_space<hbm>>
      tpu.wait_dma2 semaphore(%arg16 : memref<!tpu.dma_semaphore, #tpu.memory_space<semaphore_mem>>) src(%dma_wait3A_833 : memref<4x128xf32, #tpu.memory_space<hbm>>) dst(%dma_wait3A_830 : memref<4x128xf32, #tpu.memory_space<vmem>>)
      %dma_wait3A_834 = arith.constant 10 : i32
      %dma_wait3A_835 = arith.constant 0 : i32
      %dma_wait3A_836 = arith.constant 0 : i32
      %dma_wait3A_837 = tpu.memref_slice %arg11[%dma_wait3A_834, %dma_wait3A_835, %dma_wait3A_836] : memref<16x8x128xf32, #tpu.memory_space<vmem>> -> memref<1x8x128xf32, #tpu.memory_space<vmem>>
      %dma_wait3A_838 = tpu.memref_squeeze %dma_wait3A_837 : memref<1x8x128xf32, #tpu.memory_space<vmem>> -> memref<8x128xf32, #tpu.memory_space<vmem>>
      %dma_wait3A_839 = tpu.memref_slice %arg6[%multiple_of3A_365, %multiple_of3A_368] : memref<2912x20000xf32, #tpu.memory_space<hbm>> -> memref<8x128xf32, #tpu.memory_space<hbm>>
      %dma_wait3A_840 = arith.constant 0 : i32
      %dma_wait3A_841 = arith.constant 0 : i32
      %dma_wait3A_842 = tpu.memref_slice %arg11[%dma_wait3A_834, %dma_wait3A_840, %dma_wait3A_841] : memref<16x8x128xf32, #tpu.memory_space<vmem>> -> memref<1x8x128xf32, #tpu.memory_space<vmem>>
      %dma_wait3A_843 = tpu.memref_squeeze %dma_wait3A_842 : memref<1x8x128xf32, #tpu.memory_space<vmem>> -> memref<8x128xf32, #tpu.memory_space<vmem>>
      %dma_wait3A_844 = tpu.memref_slice %arg6[%multiple_of3A_365, %multiple_of3A_368] : memref<2912x20000xf32, #tpu.memory_space<hbm>> -> memref<8x128xf32, #tpu.memory_space<hbm>>
      tpu.wait_dma2 semaphore(%arg16 : memref<!tpu.dma_semaphore, #tpu.memory_space<semaphore_mem>>) src(%dma_wait3A_844 : memref<8x128xf32, #tpu.memory_space<hbm>>) dst(%dma_wait3A_843 : memref<8x128xf32, #tpu.memory_space<vmem>>)
      %dma_wait3A_845 = arith.constant 10 : i32
      %dma_wait3A_846 = arith.constant 0 : i32
      %dma_wait3A_847 = arith.constant 0 : i32
      %dma_wait3A_848 = tpu.memref_slice %arg13[%dma_wait3A_845, %dma_wait3A_846, %dma_wait3A_847] : memref<16x4x128xf32, #tpu.memory_space<vmem>> -> memref<1x4x128xf32, #tpu.memory_space<vmem>>
      %dma_wait3A_849 = tpu.memref_squeeze %dma_wait3A_848 : memref<1x4x128xf32, #tpu.memory_space<vmem>> -> memref<4x128xf32, #tpu.memory_space<vmem>>
      %dma_wait3A_850 = arith.constant 0 : i32
      %dma_wait3A_851 = tpu.memref_slice %arg5[%squeeze3A_362, %dma_wait3A_850, %multiple_of3A_368] : memref<32x4x20000xf32, #tpu.memory_space<hbm>> -> memref<1x4x128xf32, #tpu.memory_space<hbm>>
      %dma_wait3A_852 = tpu.memref_squeeze %dma_wait3A_851 : memref<1x4x128xf32, #tpu.memory_space<hbm>> -> memref<4x128xf32, #tpu.memory_space<hbm>>
      %dma_wait3A_853 = arith.constant 0 : i32
      %dma_wait3A_854 = arith.constant 0 : i32
      %dma_wait3A_855 = tpu.memref_slice %arg13[%dma_wait3A_845, %dma_wait3A_853, %dma_wait3A_854] : memref<16x4x128xf32, #tpu.memory_space<vmem>> -> memref<1x4x128xf32, #tpu.memory_space<vmem>>
      %dma_wait3A_856 = tpu.memref_squeeze %dma_wait3A_855 : memref<1x4x128xf32, #tpu.memory_space<vmem>> -> memref<4x128xf32, #tpu.memory_space<vmem>>
      %dma_wait3A_857 = arith.constant 0 : i32
      %dma_wait3A_858 = tpu.memref_slice %arg5[%squeeze3A_362, %dma_wait3A_857, %multiple_of3A_368] : memref<32x4x20000xf32, #tpu.memory_space<hbm>> -> memref<1x4x128xf32, #tpu.memory_space<hbm>>
      %dma_wait3A_859 = tpu.memref_squeeze %dma_wait3A_858 : memref<1x4x128xf32, #tpu.memory_space<hbm>> -> memref<4x128xf32, #tpu.memory_space<hbm>>
      tpu.wait_dma2 semaphore(%arg16 : memref<!tpu.dma_semaphore, #tpu.memory_space<semaphore_mem>>) src(%dma_wait3A_859 : memref<4x128xf32, #tpu.memory_space<hbm>>) dst(%dma_wait3A_856 : memref<4x128xf32, #tpu.memory_space<vmem>>)
      %dma_wait3A_860 = arith.constant 11 : i32
      %dma_wait3A_861 = arith.constant 0 : i32
      %dma_wait3A_862 = arith.constant 0 : i32
      %dma_wait3A_863 = tpu.memref_slice %arg11[%dma_wait3A_860, %dma_wait3A_861, %dma_wait3A_862] : memref<16x8x128xf32, #tpu.memory_space<vmem>> -> memref<1x8x128xf32, #tpu.memory_space<vmem>>
      %dma_wait3A_864 = tpu.memref_squeeze %dma_wait3A_863 : memref<1x8x128xf32, #tpu.memory_space<vmem>> -> memref<8x128xf32, #tpu.memory_space<vmem>>
      %dma_wait3A_865 = tpu.memref_slice %arg6[%multiple_of3A_399, %multiple_of3A_402] : memref<2912x20000xf32, #tpu.memory_space<hbm>> -> memref<8x128xf32, #tpu.memory_space<hbm>>
      %dma_wait3A_866 = arith.constant 0 : i32
      %dma_wait3A_867 = arith.constant 0 : i32
      %dma_wait3A_868 = tpu.memref_slice %arg11[%dma_wait3A_860, %dma_wait3A_866, %dma_wait3A_867] : memref<16x8x128xf32, #tpu.memory_space<vmem>> -> memref<1x8x128xf32, #tpu.memory_space<vmem>>
      %dma_wait3A_869 = tpu.memref_squeeze %dma_wait3A_868 : memref<1x8x128xf32, #tpu.memory_space<vmem>> -> memref<8x128xf32, #tpu.memory_space<vmem>>
      %dma_wait3A_870 = tpu.memref_slice %arg6[%multiple_of3A_399, %multiple_of3A_402] : memref<2912x20000xf32, #tpu.memory_space<hbm>> -> memref<8x128xf32, #tpu.memory_space<hbm>>
      tpu.wait_dma2 semaphore(%arg16 : memref<!tpu.dma_semaphore, #tpu.memory_space<semaphore_mem>>) src(%dma_wait3A_870 : memref<8x128xf32, #tpu.memory_space<hbm>>) dst(%dma_wait3A_869 : memref<8x128xf32, #tpu.memory_space<vmem>>)
      %dma_wait3A_871 = arith.constant 11 : i32
      %dma_wait3A_872 = arith.constant 0 : i32
      %dma_wait3A_873 = arith.constant 0 : i32
      %dma_wait3A_874 = tpu.memref_slice %arg13[%dma_wait3A_871, %dma_wait3A_872, %dma_wait3A_873] : memref<16x4x128xf32, #tpu.memory_space<vmem>> -> memref<1x4x128xf32, #tpu.memory_space<vmem>>
      %dma_wait3A_875 = tpu.memref_squeeze %dma_wait3A_874 : memref<1x4x128xf32, #tpu.memory_space<vmem>> -> memref<4x128xf32, #tpu.memory_space<vmem>>
      %dma_wait3A_876 = arith.constant 0 : i32
      %dma_wait3A_877 = tpu.memref_slice %arg5[%squeeze3A_396, %dma_wait3A_876, %multiple_of3A_402] : memref<32x4x20000xf32, #tpu.memory_space<hbm>> -> memref<1x4x128xf32, #tpu.memory_space<hbm>>
      %dma_wait3A_878 = tpu.memref_squeeze %dma_wait3A_877 : memref<1x4x128xf32, #tpu.memory_space<hbm>> -> memref<4x128xf32, #tpu.memory_space<hbm>>
      %dma_wait3A_879 = arith.constant 0 : i32
      %dma_wait3A_880 = arith.constant 0 : i32
      %dma_wait3A_881 = tpu.memref_slice %arg13[%dma_wait3A_871, %dma_wait3A_879, %dma_wait3A_880] : memref<16x4x128xf32, #tpu.memory_space<vmem>> -> memref<1x4x128xf32, #tpu.memory_space<vmem>>
      %dma_wait3A_882 = tpu.memref_squeeze %dma_wait3A_881 : memref<1x4x128xf32, #tpu.memory_space<vmem>> -> memref<4x128xf32, #tpu.memory_space<vmem>>
      %dma_wait3A_883 = arith.constant 0 : i32
      %dma_wait3A_884 = tpu.memref_slice %arg5[%squeeze3A_396, %dma_wait3A_883, %multiple_of3A_402] : memref<32x4x20000xf32, #tpu.memory_space<hbm>> -> memref<1x4x128xf32, #tpu.memory_space<hbm>>
      %dma_wait3A_885 = tpu.memref_squeeze %dma_wait3A_884 : memref<1x4x128xf32, #tpu.memory_space<hbm>> -> memref<4x128xf32, #tpu.memory_space<hbm>>
      tpu.wait_dma2 semaphore(%arg16 : memref<!tpu.dma_semaphore, #tpu.memory_space<semaphore_mem>>) src(%dma_wait3A_885 : memref<4x128xf32, #tpu.memory_space<hbm>>) dst(%dma_wait3A_882 : memref<4x128xf32, #tpu.memory_space<vmem>>)
      %dma_wait3A_886 = arith.constant 12 : i32
      %dma_wait3A_887 = arith.constant 0 : i32
      %dma_wait3A_888 = arith.constant 0 : i32
      %dma_wait3A_889 = tpu.memref_slice %arg11[%dma_wait3A_886, %dma_wait3A_887, %dma_wait3A_888] : memref<16x8x128xf32, #tpu.memory_space<vmem>> -> memref<1x8x128xf32, #tpu.memory_space<vmem>>
      %dma_wait3A_890 = tpu.memref_squeeze %dma_wait3A_889 : memref<1x8x128xf32, #tpu.memory_space<vmem>> -> memref<8x128xf32, #tpu.memory_space<vmem>>
      %dma_wait3A_891 = tpu.memref_slice %arg6[%multiple_of3A_433, %multiple_of3A_436] : memref<2912x20000xf32, #tpu.memory_space<hbm>> -> memref<8x128xf32, #tpu.memory_space<hbm>>
      %dma_wait3A_892 = arith.constant 0 : i32
      %dma_wait3A_893 = arith.constant 0 : i32
      %dma_wait3A_894 = tpu.memref_slice %arg11[%dma_wait3A_886, %dma_wait3A_892, %dma_wait3A_893] : memref<16x8x128xf32, #tpu.memory_space<vmem>> -> memref<1x8x128xf32, #tpu.memory_space<vmem>>
      %dma_wait3A_895 = tpu.memref_squeeze %dma_wait3A_894 : memref<1x8x128xf32, #tpu.memory_space<vmem>> -> memref<8x128xf32, #tpu.memory_space<vmem>>
      %dma_wait3A_896 = tpu.memref_slice %arg6[%multiple_of3A_433, %multiple_of3A_436] : memref<2912x20000xf32, #tpu.memory_space<hbm>> -> memref<8x128xf32, #tpu.memory_space<hbm>>
      tpu.wait_dma2 semaphore(%arg16 : memref<!tpu.dma_semaphore, #tpu.memory_space<semaphore_mem>>) src(%dma_wait3A_896 : memref<8x128xf32, #tpu.memory_space<hbm>>) dst(%dma_wait3A_895 : memref<8x128xf32, #tpu.memory_space<vmem>>)
      %dma_wait3A_897 = arith.constant 12 : i32
      %dma_wait3A_898 = arith.constant 0 : i32
      %dma_wait3A_899 = arith.constant 0 : i32
      %dma_wait3A_900 = tpu.memref_slice %arg13[%dma_wait3A_897, %dma_wait3A_898, %dma_wait3A_899] : memref<16x4x128xf32, #tpu.memory_space<vmem>> -> memref<1x4x128xf32, #tpu.memory_space<vmem>>
      %dma_wait3A_901 = tpu.memref_squeeze %dma_wait3A_900 : memref<1x4x128xf32, #tpu.memory_space<vmem>> -> memref<4x128xf32, #tpu.memory_space<vmem>>
      %dma_wait3A_902 = arith.constant 0 : i32
      %dma_wait3A_903 = tpu.memref_slice %arg5[%squeeze3A_430, %dma_wait3A_902, %multiple_of3A_436] : memref<32x4x20000xf32, #tpu.memory_space<hbm>> -> memref<1x4x128xf32, #tpu.memory_space<hbm>>
      %dma_wait3A_904 = tpu.memref_squeeze %dma_wait3A_903 : memref<1x4x128xf32, #tpu.memory_space<hbm>> -> memref<4x128xf32, #tpu.memory_space<hbm>>
      %dma_wait3A_905 = arith.constant 0 : i32
      %dma_wait3A_906 = arith.constant 0 : i32
      %dma_wait3A_907 = tpu.memref_slice %arg13[%dma_wait3A_897, %dma_wait3A_905, %dma_wait3A_906] : memref<16x4x128xf32, #tpu.memory_space<vmem>> -> memref<1x4x128xf32, #tpu.memory_space<vmem>>
      %dma_wait3A_908 = tpu.memref_squeeze %dma_wait3A_907 : memref<1x4x128xf32, #tpu.memory_space<vmem>> -> memref<4x128xf32, #tpu.memory_space<vmem>>
      %dma_wait3A_909 = arith.constant 0 : i32
      %dma_wait3A_910 = tpu.memref_slice %arg5[%squeeze3A_430, %dma_wait3A_909, %multiple_of3A_436] : memref<32x4x20000xf32, #tpu.memory_space<hbm>> -> memref<1x4x128xf32, #tpu.memory_space<hbm>>
      %dma_wait3A_911 = tpu.memref_squeeze %dma_wait3A_910 : memref<1x4x128xf32, #tpu.memory_space<hbm>> -> memref<4x128xf32, #tpu.memory_space<hbm>>
      tpu.wait_dma2 semaphore(%arg16 : memref<!tpu.dma_semaphore, #tpu.memory_space<semaphore_mem>>) src(%dma_wait3A_911 : memref<4x128xf32, #tpu.memory_space<hbm>>) dst(%dma_wait3A_908 : memref<4x128xf32, #tpu.memory_space<vmem>>)
      %dma_wait3A_912 = arith.constant 13 : i32
      %dma_wait3A_913 = arith.constant 0 : i32
      %dma_wait3A_914 = arith.constant 0 : i32
      %dma_wait3A_915 = tpu.memref_slice %arg11[%dma_wait3A_912, %dma_wait3A_913, %dma_wait3A_914] : memref<16x8x128xf32, #tpu.memory_space<vmem>> -> memref<1x8x128xf32, #tpu.memory_space<vmem>>
      %dma_wait3A_916 = tpu.memref_squeeze %dma_wait3A_915 : memref<1x8x128xf32, #tpu.memory_space<vmem>> -> memref<8x128xf32, #tpu.memory_space<vmem>>
      %dma_wait3A_917 = tpu.memref_slice %arg6[%multiple_of3A_467, %multiple_of3A_470] : memref<2912x20000xf32, #tpu.memory_space<hbm>> -> memref<8x128xf32, #tpu.memory_space<hbm>>
      %dma_wait3A_918 = arith.constant 0 : i32
      %dma_wait3A_919 = arith.constant 0 : i32
      %dma_wait3A_920 = tpu.memref_slice %arg11[%dma_wait3A_912, %dma_wait3A_918, %dma_wait3A_919] : memref<16x8x128xf32, #tpu.memory_space<vmem>> -> memref<1x8x128xf32, #tpu.memory_space<vmem>>
      %dma_wait3A_921 = tpu.memref_squeeze %dma_wait3A_920 : memref<1x8x128xf32, #tpu.memory_space<vmem>> -> memref<8x128xf32, #tpu.memory_space<vmem>>
      %dma_wait3A_922 = tpu.memref_slice %arg6[%multiple_of3A_467, %multiple_of3A_470] : memref<2912x20000xf32, #tpu.memory_space<hbm>> -> memref<8x128xf32, #tpu.memory_space<hbm>>
      tpu.wait_dma2 semaphore(%arg16 : memref<!tpu.dma_semaphore, #tpu.memory_space<semaphore_mem>>) src(%dma_wait3A_922 : memref<8x128xf32, #tpu.memory_space<hbm>>) dst(%dma_wait3A_921 : memref<8x128xf32, #tpu.memory_space<vmem>>)
      %dma_wait3A_923 = arith.constant 13 : i32
      %dma_wait3A_924 = arith.constant 0 : i32
      %dma_wait3A_925 = arith.constant 0 : i32
      %dma_wait3A_926 = tpu.memref_slice %arg13[%dma_wait3A_923, %dma_wait3A_924, %dma_wait3A_925] : memref<16x4x128xf32, #tpu.memory_space<vmem>> -> memref<1x4x128xf32, #tpu.memory_space<vmem>>
      %dma_wait3A_927 = tpu.memref_squeeze %dma_wait3A_926 : memref<1x4x128xf32, #tpu.memory_space<vmem>> -> memref<4x128xf32, #tpu.memory_space<vmem>>
      %dma_wait3A_928 = arith.constant 0 : i32
      %dma_wait3A_929 = tpu.memref_slice %arg5[%squeeze3A_464, %dma_wait3A_928, %multiple_of3A_470] : memref<32x4x20000xf32, #tpu.memory_space<hbm>> -> memref<1x4x128xf32, #tpu.memory_space<hbm>>
      %dma_wait3A_930 = tpu.memref_squeeze %dma_wait3A_929 : memref<1x4x128xf32, #tpu.memory_space<hbm>> -> memref<4x128xf32, #tpu.memory_space<hbm>>
      %dma_wait3A_931 = arith.constant 0 : i32
      %dma_wait3A_932 = arith.constant 0 : i32
      %dma_wait3A_933 = tpu.memref_slice %arg13[%dma_wait3A_923, %dma_wait3A_931, %dma_wait3A_932] : memref<16x4x128xf32, #tpu.memory_space<vmem>> -> memref<1x4x128xf32, #tpu.memory_space<vmem>>
      %dma_wait3A_934 = tpu.memref_squeeze %dma_wait3A_933 : memref<1x4x128xf32, #tpu.memory_space<vmem>> -> memref<4x128xf32, #tpu.memory_space<vmem>>
      %dma_wait3A_935 = arith.constant 0 : i32
      %dma_wait3A_936 = tpu.memref_slice %arg5[%squeeze3A_464, %dma_wait3A_935, %multiple_of3A_470] : memref<32x4x20000xf32, #tpu.memory_space<hbm>> -> memref<1x4x128xf32, #tpu.memory_space<hbm>>
      %dma_wait3A_937 = tpu.memref_squeeze %dma_wait3A_936 : memref<1x4x128xf32, #tpu.memory_space<hbm>> -> memref<4x128xf32, #tpu.memory_space<hbm>>
      tpu.wait_dma2 semaphore(%arg16 : memref<!tpu.dma_semaphore, #tpu.memory_space<semaphore_mem>>) src(%dma_wait3A_937 : memref<4x128xf32, #tpu.memory_space<hbm>>) dst(%dma_wait3A_934 : memref<4x128xf32, #tpu.memory_space<vmem>>)
      %dma_wait3A_938 = arith.constant 14 : i32
      %dma_wait3A_939 = arith.constant 0 : i32
      %dma_wait3A_940 = arith.constant 0 : i32
      %dma_wait3A_941 = tpu.memref_slice %arg11[%dma_wait3A_938, %dma_wait3A_939, %dma_wait3A_940] : memref<16x8x128xf32, #tpu.memory_space<vmem>> -> memref<1x8x128xf32, #tpu.memory_space<vmem>>
      %dma_wait3A_942 = tpu.memref_squeeze %dma_wait3A_941 : memref<1x8x128xf32, #tpu.memory_space<vmem>> -> memref<8x128xf32, #tpu.memory_space<vmem>>
      %dma_wait3A_943 = tpu.memref_slice %arg6[%multiple_of3A_501, %multiple_of3A_504] : memref<2912x20000xf32, #tpu.memory_space<hbm>> -> memref<8x128xf32, #tpu.memory_space<hbm>>
      %dma_wait3A_944 = arith.constant 0 : i32
      %dma_wait3A_945 = arith.constant 0 : i32
      %dma_wait3A_946 = tpu.memref_slice %arg11[%dma_wait3A_938, %dma_wait3A_944, %dma_wait3A_945] : memref<16x8x128xf32, #tpu.memory_space<vmem>> -> memref<1x8x128xf32, #tpu.memory_space<vmem>>
      %dma_wait3A_947 = tpu.memref_squeeze %dma_wait3A_946 : memref<1x8x128xf32, #tpu.memory_space<vmem>> -> memref<8x128xf32, #tpu.memory_space<vmem>>
      %dma_wait3A_948 = tpu.memref_slice %arg6[%multiple_of3A_501, %multiple_of3A_504] : memref<2912x20000xf32, #tpu.memory_space<hbm>> -> memref<8x128xf32, #tpu.memory_space<hbm>>
      tpu.wait_dma2 semaphore(%arg16 : memref<!tpu.dma_semaphore, #tpu.memory_space<semaphore_mem>>) src(%dma_wait3A_948 : memref<8x128xf32, #tpu.memory_space<hbm>>) dst(%dma_wait3A_947 : memref<8x128xf32, #tpu.memory_space<vmem>>)
      %dma_wait3A_949 = arith.constant 14 : i32
      %dma_wait3A_950 = arith.constant 0 : i32
      %dma_wait3A_951 = arith.constant 0 : i32
      %dma_wait3A_952 = tpu.memref_slice %arg13[%dma_wait3A_949, %dma_wait3A_950, %dma_wait3A_951] : memref<16x4x128xf32, #tpu.memory_space<vmem>> -> memref<1x4x128xf32, #tpu.memory_space<vmem>>
      %dma_wait3A_953 = tpu.memref_squeeze %dma_wait3A_952 : memref<1x4x128xf32, #tpu.memory_space<vmem>> -> memref<4x128xf32, #tpu.memory_space<vmem>>
      %dma_wait3A_954 = arith.constant 0 : i32
      %dma_wait3A_955 = tpu.memref_slice %arg5[%squeeze3A_498, %dma_wait3A_954, %multiple_of3A_504] : memref<32x4x20000xf32, #tpu.memory_space<hbm>> -> memref<1x4x128xf32, #tpu.memory_space<hbm>>
      %dma_wait3A_956 = tpu.memref_squeeze %dma_wait3A_955 : memref<1x4x128xf32, #tpu.memory_space<hbm>> -> memref<4x128xf32, #tpu.memory_space<hbm>>
      %dma_wait3A_957 = arith.constant 0 : i32
      %dma_wait3A_958 = arith.constant 0 : i32
      %dma_wait3A_959 = tpu.memref_slice %arg13[%dma_wait3A_949, %dma_wait3A_957, %dma_wait3A_958] : memref<16x4x128xf32, #tpu.memory_space<vmem>> -> memref<1x4x128xf32, #tpu.memory_space<vmem>>
      %dma_wait3A_960 = tpu.memref_squeeze %dma_wait3A_959 : memref<1x4x128xf32, #tpu.memory_space<vmem>> -> memref<4x128xf32, #tpu.memory_space<vmem>>
      %dma_wait3A_961 = arith.constant 0 : i32
      %dma_wait3A_962 = tpu.memref_slice %arg5[%squeeze3A_498, %dma_wait3A_961, %multiple_of3A_504] : memref<32x4x20000xf32, #tpu.memory_space<hbm>> -> memref<1x4x128xf32, #tpu.memory_space<hbm>>
      %dma_wait3A_963 = tpu.memref_squeeze %dma_wait3A_962 : memref<1x4x128xf32, #tpu.memory_space<hbm>> -> memref<4x128xf32, #tpu.memory_space<hbm>>
      tpu.wait_dma2 semaphore(%arg16 : memref<!tpu.dma_semaphore, #tpu.memory_space<semaphore_mem>>) src(%dma_wait3A_963 : memref<4x128xf32, #tpu.memory_space<hbm>>) dst(%dma_wait3A_960 : memref<4x128xf32, #tpu.memory_space<vmem>>)
      %dma_wait3A_964 = arith.constant 15 : i32
      %dma_wait3A_965 = arith.constant 0 : i32
      %dma_wait3A_966 = arith.constant 0 : i32
      %dma_wait3A_967 = tpu.memref_slice %arg11[%dma_wait3A_964, %dma_wait3A_965, %dma_wait3A_966] : memref<16x8x128xf32, #tpu.memory_space<vmem>> -> memref<1x8x128xf32, #tpu.memory_space<vmem>>
      %dma_wait3A_968 = tpu.memref_squeeze %dma_wait3A_967 : memref<1x8x128xf32, #tpu.memory_space<vmem>> -> memref<8x128xf32, #tpu.memory_space<vmem>>
      %dma_wait3A_969 = tpu.memref_slice %arg6[%multiple_of3A_535, %multiple_of3A_538] : memref<2912x20000xf32, #tpu.memory_space<hbm>> -> memref<8x128xf32, #tpu.memory_space<hbm>>
      %dma_wait3A_970 = arith.constant 0 : i32
      %dma_wait3A_971 = arith.constant 0 : i32
      %dma_wait3A_972 = tpu.memref_slice %arg11[%dma_wait3A_964, %dma_wait3A_970, %dma_wait3A_971] : memref<16x8x128xf32, #tpu.memory_space<vmem>> -> memref<1x8x128xf32, #tpu.memory_space<vmem>>
      %dma_wait3A_973 = tpu.memref_squeeze %dma_wait3A_972 : memref<1x8x128xf32, #tpu.memory_space<vmem>> -> memref<8x128xf32, #tpu.memory_space<vmem>>
      %dma_wait3A_974 = tpu.memref_slice %arg6[%multiple_of3A_535, %multiple_of3A_538] : memref<2912x20000xf32, #tpu.memory_space<hbm>> -> memref<8x128xf32, #tpu.memory_space<hbm>>
      tpu.wait_dma2 semaphore(%arg16 : memref<!tpu.dma_semaphore, #tpu.memory_space<semaphore_mem>>) src(%dma_wait3A_974 : memref<8x128xf32, #tpu.memory_space<hbm>>) dst(%dma_wait3A_973 : memref<8x128xf32, #tpu.memory_space<vmem>>)
      %dma_wait3A_975 = arith.constant 15 : i32
      %dma_wait3A_976 = arith.constant 0 : i32
      %dma_wait3A_977 = arith.constant 0 : i32
      %dma_wait3A_978 = tpu.memref_slice %arg13[%dma_wait3A_975, %dma_wait3A_976, %dma_wait3A_977] : memref<16x4x128xf32, #tpu.memory_space<vmem>> -> memref<1x4x128xf32, #tpu.memory_space<vmem>>
      %dma_wait3A_979 = tpu.memref_squeeze %dma_wait3A_978 : memref<1x4x128xf32, #tpu.memory_space<vmem>> -> memref<4x128xf32, #tpu.memory_space<vmem>>
      %dma_wait3A_980 = arith.constant 0 : i32
      %dma_wait3A_981 = tpu.memref_slice %arg5[%squeeze3A_532, %dma_wait3A_980, %multiple_of3A_538] : memref<32x4x20000xf32, #tpu.memory_space<hbm>> -> memref<1x4x128xf32, #tpu.memory_space<hbm>>
      %dma_wait3A_982 = tpu.memref_squeeze %dma_wait3A_981 : memref<1x4x128xf32, #tpu.memory_space<hbm>> -> memref<4x128xf32, #tpu.memory_space<hbm>>
      %dma_wait3A_983 = arith.constant 0 : i32
      %dma_wait3A_984 = arith.constant 0 : i32
      %dma_wait3A_985 = tpu.memref_slice %arg13[%dma_wait3A_975, %dma_wait3A_983, %dma_wait3A_984] : memref<16x4x128xf32, #tpu.memory_space<vmem>> -> memref<1x4x128xf32, #tpu.memory_space<vmem>>
      %dma_wait3A_986 = tpu.memref_squeeze %dma_wait3A_985 : memref<1x4x128xf32, #tpu.memory_space<vmem>> -> memref<4x128xf32, #tpu.memory_space<vmem>>
      %dma_wait3A_987 = arith.constant 0 : i32
      %dma_wait3A_988 = tpu.memref_slice %arg5[%squeeze3A_532, %dma_wait3A_987, %multiple_of3A_538] : memref<32x4x20000xf32, #tpu.memory_space<hbm>> -> memref<1x4x128xf32, #tpu.memory_space<hbm>>
      %dma_wait3A_989 = tpu.memref_squeeze %dma_wait3A_988 : memref<1x4x128xf32, #tpu.memory_space<hbm>> -> memref<4x128xf32, #tpu.memory_space<hbm>>
      tpu.wait_dma2 semaphore(%arg16 : memref<!tpu.dma_semaphore, #tpu.memory_space<semaphore_mem>>) src(%dma_wait3A_989 : memref<4x128xf32, #tpu.memory_space<hbm>>) dst(%dma_wait3A_986 : memref<4x128xf32, #tpu.memory_space<vmem>>)
      %and3A_990 = arith.constant 127 : i32
      %and3A_991 = vector.broadcast %and3A_990 : i32 to vector<16xi32>
      %and3A_992 = arith.andi %get3A_15, %and3A_991 : vector<16xi32>
      %and3A_993 = arith.constant 7 : i32
      %and3A_994 = vector.broadcast %and3A_993 : i32 to vector<16xi32>
      %and3A_995 = arith.andi %add3A_19, %and3A_994 : vector<16xi32>
      %gather3A = tpu.vector_load_idx %arg11[%iota3A, %and3A_995, %and3A_992] : memref<16x8x128xf32, #tpu.memory_space<vmem>>[vector<16xi32>, vector<16xi32>, vector<16xi32>], vector<16xf32>,
      %swap3A_996 = arith.constant 5 : i32
      %swap3A_997 = arith.index_cast %swap3A_996 : i32 to index
      %swap3A_998 = arith.index_cast %mul3A_574 : i32 to index
      %swap3A_999 = tpu.vector_load %arg15[%swap3A_997, %swap3A_998] {strides = array<i32>} : memref<8x512xf32, #tpu.memory_space<vmem>>, vector<16xf32>,
      tpu.vector_store %arg15[%swap3A_997, %swap3A_998], %gather3A {strides = array<i32>} : memref<8x512xf32, #tpu.memory_space<vmem>>, vector<16xf32>,
      %broadcast_in_dim3A = arith.constant 0 : i32
      %broadcast_in_dim3A_1000 = vector.broadcast %broadcast_in_dim3A : i32 to vector<16xi32>
      %gather3A_1001 = tpu.vector_load_idx %arg13[%iota3A, %broadcast_in_dim3A_1000, %and3A_992] : memref<16x4x128xf32, #tpu.memory_space<vmem>>[vector<16xi32>, vector<16xi32>, vector<16xi32>], vector<16xf32>,
      %swap3A_1002 = arith.constant 1 : i32
      %swap3A_1003 = arith.index_cast %swap3A_1002 : i32 to index
      %swap3A_1004 = arith.index_cast %mul3A_574 : i32 to index
      %swap3A_1005 = tpu.vector_load %arg15[%swap3A_1003, %swap3A_1004] {strides = array<i32>} : memref<8x512xf32, #tpu.memory_space<vmem>>, vector<16xf32>,
      tpu.vector_store %arg15[%swap3A_1003, %swap3A_1004], %gather3A_1001 {strides = array<i32>} : memref<8x512xf32, #tpu.memory_space<vmem>>, vector<16xf32>,
      %broadcast_in_dim3A_1006 = arith.constant 1 : i32
      %broadcast_in_dim3A_1007 = vector.broadcast %broadcast_in_dim3A_1006 : i32 to vector<16xi32>
      %gather3A_1008 = tpu.vector_load_idx %arg13[%iota3A, %broadcast_in_dim3A_1007, %and3A_992] : memref<16x4x128xf32, #tpu.memory_space<vmem>>[vector<16xi32>, vector<16xi32>, vector<16xi32>], vector<16xf32>,
      %swap3A_1009 = arith.constant 2 : i32
      %swap3A_1010 = arith.index_cast %swap3A_1009 : i32 to index
      %swap3A_1011 = arith.index_cast %mul3A_574 : i32 to index
      %swap3A_1012 = tpu.vector_load %arg15[%swap3A_1010, %swap3A_1011] {strides = array<i32>} : memref<8x512xf32, #tpu.memory_space<vmem>>, vector<16xf32>,
      tpu.vector_store %arg15[%swap3A_1010, %swap3A_1011], %gather3A_1008 {strides = array<i32>} : memref<8x512xf32, #tpu.memory_space<vmem>>, vector<16xf32>,
      %broadcast_in_dim3A_1013 = arith.constant 2 : i32
      %broadcast_in_dim3A_1014 = vector.broadcast %broadcast_in_dim3A_1013 : i32 to vector<16xi32>
      %gather3A_1015 = tpu.vector_load_idx %arg13[%iota3A, %broadcast_in_dim3A_1014, %and3A_992] : memref<16x4x128xf32, #tpu.memory_space<vmem>>[vector<16xi32>, vector<16xi32>, vector<16xi32>], vector<16xf32>,
      %swap3A_1016 = arith.constant 3 : i32
      %swap3A_1017 = arith.index_cast %swap3A_1016 : i32 to index
      %swap3A_1018 = arith.index_cast %mul3A_574 : i32 to index
      %swap3A_1019 = tpu.vector_load %arg15[%swap3A_1017, %swap3A_1018] {strides = array<i32>} : memref<8x512xf32, #tpu.memory_space<vmem>>, vector<16xf32>,
      tpu.vector_store %arg15[%swap3A_1017, %swap3A_1018], %gather3A_1015 {strides = array<i32>} : memref<8x512xf32, #tpu.memory_space<vmem>>, vector<16xf32>,
      %broadcast_in_dim3A_1020 = arith.constant 3 : i32
      %broadcast_in_dim3A_1021 = vector.broadcast %broadcast_in_dim3A_1020 : i32 to vector<16xi32>
      %gather3A_1022 = tpu.vector_load_idx %arg13[%iota3A, %broadcast_in_dim3A_1021, %and3A_992] : memref<16x4x128xf32, #tpu.memory_space<vmem>>[vector<16xi32>, vector<16xi32>, vector<16xi32>], vector<16xf32>,
      %swap3A_1023 = arith.constant 4 : i32
      %swap3A_1024 = arith.index_cast %swap3A_1023 : i32 to index
      %swap3A_1025 = arith.index_cast %mul3A_574 : i32 to index
      %swap3A_1026 = tpu.vector_load %arg15[%swap3A_1024, %swap3A_1025] {strides = array<i32>} : memref<8x512xf32, #tpu.memory_space<vmem>>, vector<16xf32>,
      tpu.vector_store %arg15[%swap3A_1024, %swap3A_1025], %gather3A_1022 {strides = array<i32>} : memref<8x512xf32, #tpu.memory_space<vmem>>, vector<16xf32>,
    }
    %scan3A_7 = arith.constant 32 : i32
    "tpu.region"() ({
      %run_scoped3A = tpu.sem_alloc : memref<!tpu.dma_semaphore, #tpu.memory_space<semaphore_mem>>
      %dma_start3A = arith.constant 0 : i32
      %dma_start3A_8 = tpu.memref_slice %arg7[%dma_start3A, %mul3A_2] : memref<8x16384xf32, #tpu.memory_space<hbm>> -> memref<8x512xf32, #tpu.memory_space<hbm>>
      %dma_start3A_9 = arith.constant 0 : i32
      %dma_start3A_10 = tpu.memref_slice %arg7[%dma_start3A_9, %mul3A_2] : memref<8x16384xf32, #tpu.memory_space<hbm>> -> memref<8x512xf32, #tpu.memory_space<hbm>>
      tpu.enqueue_dma source(%arg15 : memref<8x512xf32, #tpu.memory_space<vmem>>) target(%dma_start3A_10 : memref<8x512xf32, #tpu.memory_space<hbm>>) target_semaphore(%run_scoped3A : memref<!tpu.dma_semaphore, #tpu.memory_space<semaphore_mem>>)
      %dma_wait3A = arith.constant 0 : i32
      %dma_wait3A_11 = tpu.memref_slice %arg7[%dma_wait3A, %mul3A_2] : memref<8x16384xf32, #tpu.memory_space<hbm>> -> memref<8x512xf32, #tpu.memory_space<hbm>>
      %dma_wait3A_12 = arith.constant 0 : i32
      %dma_wait3A_13 = tpu.memref_slice %arg7[%dma_wait3A_12, %mul3A_2] : memref<8x16384xf32, #tpu.memory_space<hbm>> -> memref<8x512xf32, #tpu.memory_space<hbm>>
      tpu.wait_dma2 semaphore(%run_scoped3A : memref<!tpu.dma_semaphore, #tpu.memory_space<semaphore_mem>>) src(%arg15 : memref<8x512xf32, #tpu.memory_space<vmem>>) dst(%dma_wait3A_13 : memref<8x512xf32, #tpu.memory_space<hbm>>)
      tpu.yield
    }) : () -> ()
    return
  }
}

</mosaic_0001>

<sc_bundles>
// kernel: _sc_gather.3.cloned.1.call-start
scs
__scs_entry_jumppad:
0x0: {  	(pc) =	sbr.rel $0x88, $3  }
0x1: {  	(tag) =	ssettag $0x0;
	lr =	simm.s32 $0x1  }
0x2: {  	[smem:$0x3F9C] =	sst lr;
	_ =	strace $0xD0000000  }
0x3: {  	_ = 	snop  }
0x4: {  	_ = 	snop  }
0x5: {  	_ = 	snop  }
0x6: {  	_ = 	snop  }
0x7: {  	_ = 	snop  }
__scs_overlays_trampoline_lowered:
0x8: {  	[smem:$0x3FAB] =	sst s0  }
0x9: {  	[smem:$0x3FAC] =	sst s1  }
0xa: {  	[smem:$0x3FAD] =	sst s2  }
0xb: {  	[smem:$0x3FAE] =	sst s3  }
0xc: {  	[smem:$0x3FAF] =	sst s4  }
0xd: {  	[smem:$0x3FB0] =	sst s5  }
0xe: {  	[smem:$0x3FB1] =	sst s6  }
0xf: {  	[smem:$0x3FB2] =	sst s7  }
0x10: {  	[smem:$0x3FB3] =	sst s8  }
0x11: {  	[smem:$0x3FB4] =	sst s9;
	s0 =	simm.s32 @!p0 $0x0  }
0x12: {  	s1 =	sld [smem:$0x3F9A];
	s0 =	simm.s32 @p0 $0x1  }
0x13: {  	[smem:$0x3FB5] =	sst s0;
	s0 =	simm.s32 @!p1 $0x0  }
0x14: {  	s2 =	sld [smem:$0x3F99];
	s0 =	simm.s32 @p1 $0x1  }
0x15: {  	[smem:$0x3FB6] =	sst s0;
	s0 =	simm.s32 @!p2 $0x0  }
0x16: {  	s3 =	sld [smem:$0x3FDB];
	s0 =	simm.s32 @p2 $0x1  }
0x17: {  	s4 =	simm.s32 $0x1BF5;
	[smem:$0x3FB8] =	sst s0  }
0x18: {  	s0 =	sld [smem:$0x3F9B];
	_ =	swait.ge [sflag:s4], $0x0  }
0x19: {  	s7 =	sld [smem:$0x3F9C]  }
0x1a: {  	s8 =	sadd.s32 $0xFFFFE003, lr  }
0x1b: {  	s9 =	sadd.s32 $0xFFFFFEF7, lr;
	s5 =	simm.s32 $0xFFFFFFFF;
	p2 =	slt.u32 s8, $0xFFFFF086  }
0x1c: {  	p1 =	slt.u32 s9, $0xF7A;
	s5 =	simm.s32 @!p2 $0x0  }
0x1d: {  	s5 =	simm.s32 @p1 $0x1;
	p0 =	seq.s32 s7, s2  }
0x1e: {  	s7 =	smul.u32 @!p0 $0xF7A, s2;
	p2 =	seq.s32 @!p0 s5, $0x0  }
0x1f: {  	s9 =	smul.u32 $0xF7A, s1;
	s8 =	simm.s32 @!p0 $0x1BF5;
	p2 =	por !p2, p0  }
0x20: {  	[sflag:s8] =	ssyncset.s32 @!p0 $0xFFFFF086;
	s6 =	sadd.s32 @!p0 s3, s7;
	s7 =	simm.s32 @!p0 $0x108  }
0x21: {  	s3 =	sadd.s32 s3, s9;
	s6 =	sadd.s32 @!p0 $0x88, s6;
	s7 =	simm.s32 @p2 $0x1082  }
0x22: {  	[simem:s7], [sflag:s8] =	dma.local @!p0 [hbm:s6], $0xF7A  }
0x23: {  	s9 =	sor.u32 $0xD0000000, s2;
	s6 =	simm.s32 $0x108;
	_ =	swait.ge @!p0 [sflag:s8], $0x0  }
0x24: {  	s3 =	sadd.s32 $0x88, s3;
	s6 =	simm.s32 @!p1 $0x1082;
	[sflag:s4] =	ssyncset.s32 $0xFFFFF086  }
0x25: {  	[simem:s6], [sflag:s4] =	dma.local [hbm:s3], $0xF7A  }
0x26: {  	[smem:$0x3F9C] =	sst s1;
	(tag) =	ssettag s2;
	_ =	strace s9  }
0x27: {  	s1 =	sld [smem:$0x3FAC]  }
0x28: {  	s2 =	sld [smem:$0x3FAD]  }
0x29: {  	s4 =	sld [smem:$0x3FAF]  }
0x2a: {  	p0 =	seq.s32 s5, $0x0;
	s5 =	sld [smem:$0x3FB0]  }
0x2b: {  	s6 =	sld [smem:$0x3FB1]  }
0x2c: {  	s7 =	sld [smem:$0x3FB2]  }
0x2d: {  	s3 =	simm.s32 $0x108;
	s8 =	sld [smem:$0x3FB3]  }
0x2e: {  	s3 =	simm.s32 @!p0 $0x1082;
	s9 =	sld [smem:$0x3FB4]  }
0x2f: {  	lr =	sadd.s32 s0, s3;
	s0 =	sld [smem:$0x3FAB]  }
0x30: {  	s3 =	sld [smem:$0x3FAE]  }
0x31: {  	[smem:$0x3FB7] =	sst s10  }
0x32: {  	s10 =	sld [smem:$0x3FB5];
	_ =	sdelay $0x3  }
0x33: {  	p0 =	seq.s32 s10, $0x1;
	s10 =	sld [smem:$0x3FB7];
	_ =	sdelay $0x3  }
0x34: {  	[smem:$0x3FB7] =	sst s10  }
0x35: {  	s10 =	sld [smem:$0x3FB6];
	_ =	sdelay $0x3  }
0x36: {  	p1 =	seq.s32 s10, $0x1;
	s10 =	sld [smem:$0x3FB7];
	_ =	sdelay $0x3  }
0x37: {  	[smem:$0x3FB7] =	sst s10  }
0x38: {  	s10 =	sld [smem:$0x3FB8]  }
0x39: {  	_ = 	snop;
	(pc) =	sbr.ind lr, $3  }
0x3a: {  	_ = 	snop  }
0x3b: {  	_ = 	snop  }
0x3c: {  	p2 =	seq.s32 s10, $0x1;
	s10 =	sld [smem:$0x3FB7]  }
0x3d: {  	_ =	shalt  }
0x3e: {  	_ =	shalt  }
0x3f: {  	_ =	shalt  }
0x40: {  	_ =	shalt  }
0x41: {  	_ =	shalt  }
0x42: {  	_ =	shalt  }
0x43: {  	_ =	shalt  }
0x44: {  	_ =	shalt  }
0x45: {  	_ =	shalt  }
0x46: {  	_ =	shalt  }
0x47: {  	_ =	shalt  }
0x48: {  	_ =	shalt  }
0x49: {  	_ =	shalt  }
0x4a: {  	_ =	shalt  }
0x4b: {  	_ =	shalt  }
0x4c: {  	_ =	shalt  }
0x4d: {  	_ =	shalt  }
0x4e: {  	_ =	shalt  }
0x4f: {  	_ =	shalt  }
0x50: {  	_ =	shalt  }
0x51: {  	_ =	shalt  }
0x52: {  	_ =	shalt  }
0x53: {  	_ =	shalt  }
0x54: {  	_ =	shalt  }
0x55: {  	_ =	shalt  }
0x56: {  	_ =	shalt  }
0x57: {  	_ =	shalt  }
0x58: {  	_ =	shalt  }
0x59: {  	_ =	shalt  }
0x5a: {  	_ =	shalt  }
0x5b: {  	_ =	shalt  }
0x5c: {  	_ =	shalt  }
0x5d: {  	_ =	shalt  }
0x5e: {  	_ =	shalt  }
0x5f: {  	_ =	shalt  }
0x60: {  	_ =	shalt  }
0x61: {  	_ =	shalt  }
0x62: {  	_ =	shalt  }
0x63: {  	_ =	shalt  }
0x64: {  	_ =	shalt  }
0x65: {  	_ =	shalt  }
0x66: {  	_ =	shalt  }
0x67: {  	_ =	shalt  }
0x68: {  	_ =	shalt  }
0x69: {  	_ =	shalt  }
0x6a: {  	_ =	shalt  }
0x6b: {  	_ =	shalt  }
0x6c: {  	_ =	shalt  }
0x6d: {  	_ =	shalt  }
0x6e: {  	_ =	shalt  }
0x6f: {  	_ =	shalt  }
0x70: {  	_ =	shalt  }
0x71: {  	_ =	shalt  }
0x72: {  	_ =	shalt  }
0x73: {  	_ =	shalt  }
0x74: {  	_ =	shalt  }
0x75: {  	_ =	shalt  }
0x76: {  	_ =	shalt  }
0x77: {  	_ =	shalt  }
0x78: {  	_ =	shalt  }
0x79: {  	_ =	shalt  }
0x7a: {  	_ =	shalt  }
0x7b: {  	_ =	shalt  }
0x7c: {  	_ =	shalt  }
0x7d: {  	_ =	shalt  }
0x7e: {  	_ =	shalt  }
0x7f: {  	_ =	shalt  }
0x80: {  	_ =	shalt  }
0x81: {  	_ =	shalt  }
0x82: {  	_ =	shalt  }
0x83: {  	_ =	shalt  }
0x84: {  	_ =	shalt  }
0x85: {  	_ =	shalt  }
0x86: {  	_ =	shalt  }
0x87: {  	_ =	shalt  }
.Lfunc_end0:
.L_simem_size_0:
called_computation_lowered:
.L_overlay_start_0:
0x88: {  	s2 =	sld [smem:$0x3FD9]  }
0x89: {  	s3 =	sld [smem:$0x3FFE];
	_ =	sdelay $0x1  }
0x8a: {  	s1 =	srdreg.scid  }
0x8b: {  	s0 =	sand.u32 $0x1, s1  }
0x8c: {  	s18 =	sshll.u32 s0, $0xA;
	s2 =	sadd.s32 s3, s2  }
0x8d: {  	s2 =	sadd.s32 s2, s18  }
0x8e: {  	[smem:$0x3FC3] =	sst s2  }
0x8f: {  	_ = 	snop  }
0x90: {  	s2 =	sld [smem:$0x3FC9]  }
0x91: {  	s19 =	sld [smem:$0x3FC8]  }
0x92: {  	s4 =	sld [smem:$0x3FC7]  }
0x93: {  	s5 =	sld [smem:$0x3FC6]  }
0x94: {  	s6 =	sld [smem:$0x3FC5]  }
0x95: {  	s7 =	sld [smem:$0x3FD0];
	(tm) =	ssettm $0x1  }
0x96: {  	s8 =	sld [smem:$0x3FFB];
	_ =	sdelay $0x3  }
0x97: {  	_ =	strace s8  }
0x98: {  	s8 =	sld [smem:$0x3FFC];
	_ =	sdelay $0x3  }
0x99: {  	_ =	strace s8  }
0x9a: {  	s8 =	sld [smem:$0x3FFD];
	_ =	sdelay $0x3  }
0x9b: {  	_ =	strace s8  }
0x9c: {  	_ =	strace $0x8FFFFFFF  }
0x9d: {  	s20 =	sld [smem:$0x3FDB];
	_ =	sdelay $0x1  }
0x9e: {  	s9 =	simm.s32 $_scs_section_size  }
0x9f: {  	s10 =	simm.s32 $_size__tile_overlayer_lowered;
	s11 =	simm.s32 $_tile_overlayer_lowered  }
0xa0: {  	s23 =	simm.s32 $0x1BFF;
	s22 =	sshll.u32 s11, $0x1;
	s8 =	sadd.s32 s9, s20  }
0xa1: {  	s12 =	simm.s32 $0x0;
	s21 =	sshll.u32 s10, $0x1;
	s10 =	sadd.s32 s22, s8  }
0xa2: {  	[timem:s12], [sflag:s23] =	dma.local [hbm:s10], s21  }
0xa3: {  	_ =	swait.ge [sflag:s23], s21  }
0xa4: {  	s9 =	ssub.s32 $0x0, s21;
	[sflag:s23] =	ssyncset.done $0x0  }
0xa5: {  	[sflag:s23] =	ssyncadd.s32 s9;
	_ =	sdelay $0x1  }
0xa6: {  	s24 =	simm.s32 $0x1B8B  }
0xa7: {  	_ =	swait.ge [sflag:s24], $0x1  }
0xa8: {  	[sflag:s24] =	ssyncset.done $0x0  }
0xa9: {  	s25 =	simm.s32 $0x1B8E;
	[sflag:s24] =	ssyncadd.s32 $0xFFFFFFFF  }
0xaa: {  	s26 =	simm.s32 $execute0_lowered;
	[smem:$0x3FD2] =	sst s25  }
0xab: {  	s9 =	sshll.u32 s26, $0x1;
	_ =	strace $0x80000046;
	[dreg:$0x1] =	wrdreg $0xFFFFFFFF  }
0xac: {  	s28 =	simm.s32 $_size_execute0_lowered;
	s8 =	sadd.s32 s8, s9;
	[dreg:$0x0] =	wrdreg $0x0  }
0xad: {  	s9 =	sshll.u32 s28, $0x1;
	[dreg:$0x2] =	wrdreg s8  }
0xae: {  	[dreg:$0x3] =	wrdreg s9  }
0xaf: {  	[dreg:$0x4] =	wrdreg $0xC0  }
0xb0: {  	_ =	task [dreg:s12], $0x5FFFF  }
0xb1: {  	[dreg:$0x1] =	wrdreg $0xFFFFFFFF  }
0xb2: {  	[dreg:$0x0] =	wrdreg $0x60  }
0xb3: {  	[dreg:$0x2] =	wrdreg s2  }
0xb4: {  	[dreg:$0x3] =	wrdreg s19  }
0xb5: {  	[dreg:$0x4] =	wrdreg s4  }
0xb6: {  	[dreg:$0x5] =	wrdreg s5  }
0xb7: {  	[dreg:$0x6] =	wrdreg s6  }
0xb8: {  	[dreg:$0x7] =	wrdreg s7  }
0xb9: {  	[dreg:$0x8] =	wrdreg $0x9  }
0xba: {  	_ =	task.clear_ibuf [dreg:s12], $0x9FFFF;
	_ =	strace $0x90000046  }
0xbb: {  	s29 =	simm.s32 $0x9;
	_ =	strace $0x80000048  }
0xbc: {  	_ =	swait.ge [sflag:s29], $0x1  }
0xbd: {  	[sflag:s29] =	ssyncadd.s32 $0xFFFFFFFF  }
0xbe: {  	_ =	strace $0x90000048  }
0xbf: {  	_ =	sfence  }
0xc0: {  	s30 =	sld [smem:$0x0];
	_ =	sdelay $0x2  }
0xc1: {  	s31 =	sshll.u32 s1, $0xD;
	s1 =	sshrl.u32 s1, $0x2  }
0xc2: {  	s3 =	sand.u32 $0x4000, s31;
	s1 =	sadd.s32 s1, s30  }
0xc3: {  	s0 =	sor.u32 s3, s0;
	s1 =	sshll.u32 s1, $0x11  }
0xc4: {  	s0 =	sor.u32 s1, s0  }
0xc5: {  	s0 =	sadd.s32 $0x8F2B, s0  }
0xc6: {  	[sflag:s0] =	ssyncadd.remote.s32 $0x1  }
0xc7: {  	_ =	sfence.sel $0xFFFF  }
0xc8: {  	[dreg:$0x0] =	wrdreg $0xFFFFFFFF;
	(pc) =	sbr.abs _section_cstart, $3  }
0xc9: {  	[dreg:$0x1] =	wrdreg $0xFFFFFFFF  }
0xca: {  	_ =	task.clear_ibuf [dreg:s12], $0x2FFFF;
	_ =	strace $0x9FFFFFFF  }
0xcb: {  	(tm) =	ssettm $0x7FFFFFFF  }
tec
execute0_lowered:
.L_overlay_start_1:
0x0: {  	(tag) =	ssettag $0x1  }
0x1: {  	s5 =	rddreg [dreg:$0x0]  }
0x2: {  	s6 =	rddreg [dreg:$0x1]  }
0x3: {  	s7 =	rddreg [dreg:$0x2]  }
0x4: {  	s1 =	rddreg [dreg:$0x3]  }
0x5: {  	s2 =	rddreg [dreg:$0x4]  }
0x6: {  	s8 =	rddreg [dreg:$0x5]  }
0x7: {  	s0 =	rddreg [dreg:$0x6];
	s3 =	simm.s32 $0x0  }
0x8: {  	s4 =	simm.s32 $0xA00;
	[smem:$0x7FF] =	sst s3  }
0x9: {  	s25 =	simm.s32 $0x4800;
	_ =	strace $0x80000047;
	[dreg:$0x7] =	wrdreg s4  }
0xa: {  	s26 =	simm.s32 $0xE00;
	[dreg:$0x8] =	wrdreg s25  }
0xb: {  	s28 =	simm.s32 $0x4A00;
	[dreg:$0x9] =	wrdreg s26  }
0xc: {  	s29 =	simm.s32 $0x1200;
	[dreg:$0xa] =	wrdreg s28  }
0xd: {  	s30 =	simm.s32 $0x4C00;
	[dreg:$0xb] =	wrdreg s29  }
0xe: {  	s31 =	simm.s32 $0x1600;
	[dreg:$0xc] =	wrdreg s30  }
0xf: {  	s9 =	simm.s32 $0x4E00;
	[dreg:$0xd] =	wrdreg s31  }
0x10: {  	s10 =	simm.s32 $0x1A00;
	[dreg:$0xe] =	wrdreg s9  }
0x11: {  	s11 =	simm.s32 $0x5000;
	[dreg:$0xf] =	wrdreg s10  }
0x12: {  	s12 =	simm.s32 $0x1E00;
	[dreg:$0x10] =	wrdreg s11  }
0x13: {  	s13 =	simm.s32 $0x5200;
	[dreg:$0x11] =	wrdreg s12  }
0x14: {  	s14 =	simm.s32 $0x2200;
	[dreg:$0x12] =	wrdreg s13  }
0x15: {  	s15 =	simm.s32 $0x5400;
	[dreg:$0x13] =	wrdreg s14  }
0x16: {  	s16 =	simm.s32 $0x5600;
	[dreg:$0x14] =	wrdreg s15  }
0x17: {  	s17 =	simm.s32 $0x2A00;
	[dreg:$0x16] =	wrdreg s16  }
0x18: {  	s18 =	simm.s32 $0x5800;
	[dreg:$0x17] =	wrdreg s17  }
0x19: {  	s19 =	simm.s32 $0x2E00;
	[dreg:$0x18] =	wrdreg s18  }
0x1a: {  	s20 =	simm.s32 $0x5A00;
	[dreg:$0x19] =	wrdreg s19  }
0x1b: {  	s22 =	simm.s32 $0x3200;
	[dreg:$0x1a] =	wrdreg s20  }
0x1c: {  	s23 =	simm.s32 $0x5C00;
	[dreg:$0x1b] =	wrdreg s22  }
0x1d: {  	s24 =	simm.s32 $0x3600;
	[dreg:$0x1c] =	wrdreg s23  }
0x1e: {  	s10 =	simm.s32 $0x2600;
	[dreg:$0x1d] =	wrdreg s24  }
0x1f: {  	s9 =	srdreg.scid;
	s25 =	simm.s32 $0x5E00;
	[dreg:$0x15] =	wrdreg s10  }
0x20: {  	s4 =	stileid.u32;
	s26 =	simm.s32 $0x3A00;
	[dreg:$0x1e] =	wrdreg s25  }
0x21: {  	s28 =	simm.s32 $0x6000;
	s29 =	simm.s32 $0x3E00;
	[dreg:$0x1f] =	wrdreg s26  }
0x22: {  	s30 =	simm.s32 $0x6200;
	s31 =	simm.s32 $0x4200;
	[smem:$0x7F9] =	sst s28  }
0x23: {  	s13 =	simm.s32 $0x6400;
	s14 =	simm.s32 $0x6600;
	[smem:$0x7FA] =	sst s29  }
0x24: {  	s15 =	simm.s32 $0x0;
	s9 =	sand.u32 $0x1, s9;
	[smem:$0x7FB] =	sst s30  }
0x25: {  	s21 =	sshll.u32 s4, $0xA;
	s10 =	simm.s32 $0x2;
	[smem:$0x7FC] =	sst s31  }
0x26: {  	[smem:$0x7FD] =	sst s13;
	s11 =	ssub.s32 $0x2, s9;
	s9 =	sshll.u32 s9, $0x9  }
0x27: {  	v1 =	vlaneseq.u32;
	s13 =	simm.s32 $0x1;
	s12 =	sshrl.u32 s11, $0x1;
	s9 =	sor.u32 s9, s21  }
0x28: {  	v0 =	vmul.u32 $0x200, v1;
	s11 =	ssub.s32 s11, s12;
	s12 =	sshrl.u32 s9, $0x3;
	s8 =	sadd.s32 s8, s9  }
0x29: {  	v1 =	vmul.u32 $0x400, v1;
	s5 =	sadd.s32 s5, s12;
	s6 =	sadd.s32 s6, s12;
	s7 =	sadd.s32 s7, s12  }
0x2a: {  	v2 =	vor.u32 $0x80, v0;
	v3 =	vor.u32 $0x100, v0;
	v4 =	vor.u32 $0x180, v0;
	s9 =	smax.u32 s11, $0x1;
	s11 =	simm.s32 $0x600;
	s12 =	simm.s32 $0x4600  }
.LBB2_1:
0x2b: {  	[tilespmem:s3], [sflag:$0x2] =	stream.linear.gather [hbm4b:s5+s3], $0x200, $0x38;
	[tilespmem:$0x7600] =	vst v63  }
0x2c: {  	_ =	swait.ge [sflag:s10], $0x200  }
0x2d: {  	[sflag:s10] =	ssyncset.done $0x0  }
0x2e: {  	s16 =	simm.s32 $0x200;
	[sflag:s10] =	ssyncadd.s32 $0xFFFFFE00  }
0x2f: {  	[tilespmem:s16], [sflag:$0x2] =	stream.linear.gather [hbm4b:s6+s3], $0x200, $0x38;
	[tilespmem:$0x7600] =	vst v63  }
0x30: {  	_ =	swait.ge [sflag:s10], $0x200  }
0x31: {  	[sflag:s10] =	ssyncset.done $0x0  }
0x32: {  	s17 =	simm.s32 $0x400;
	[sflag:s10] =	ssyncadd.s32 $0xFFFFFE00  }
0x33: {  	[tilespmem:s17], [sflag:$0x2] =	stream.linear.gather [hbm4b:s7+s3], $0x200, $0x38;
	[tilespmem:$0x7600] =	vst v63  }
0x34: {  	_ =	swait.ge [sflag:s10], $0x200  }
0x35: {  	s18 =	simm.s32 $0x0;
	[sflag:s10] =	ssyncset.done $0x0  }
0x36: {  	s19 =	simm.s32 $0x0;
	s20 =	simm.s32 $0x0;
	[sflag:s10] =	ssyncadd.s32 $0xFFFFFE00  }
.LBB2_2:
0x37: {  	v7 =	vld [tilespmem:s16+$0x0]  }
0x38: {  	v6 =	vld [tilespmem:s18+$0x0];
	_ =	sdelay $0x1  }
0x39: {  	v5 =	vld [tilespmem:s17+$0x0];
	_ =	sdelay $0x1  }
0x3a: {  	v8 =	vshll.u32 v7, $0x5  }
0x3b: {  	v8 =	vadd.s32 v6, v8  }
0x3c: {  	v8 =	vshrl.u32 v8, $0x3  }
0x3d: {  	v10 =	vand.u32 $0xFFFFFF80, v5;
	v9 =	vmul.u32 $0x4E80, v8  }
0x3e: {  	v62 =	vmul.u32 $0x13A00, v6;
	(v2sf) =	vpush v10, $0x0  }
0x3f: {  	(v2sf) =	vpush v9, $0x0  }
0x40: {  	(v2sf) =	vpush v62, $0x0;
	_ =	sdelay $0x2  }
0x41: {  	(v2sf) =	vpush v10, $0x1  }
0x42: {  	(v2sf) =	vpush v9, $0x1  }
0x43: {  	(v2sf) =	vpush v62, $0x1;
	_ =	sdelay $0x7  }
0x44: {  	s21 =	spop (v2sf);
	(v2sf) =	vpush v10, $0x2  }
0x45: {  	s23 =	spop (v2sf);
	(v2sf) =	vpush v9, $0x2  }
0x46: {  	s22 =	sadd.s32 s2, s21;
	s30 =	spop (v2sf);
	(v2sf) =	vpush v62, $0x2  }
0x47: {  	s21 =	sshll.u32 s21, $0x2;
	s22 =	sadd.s32 s23, s22  }
0x48: {  	[tilespmem:s11], [sflag:$0x1] =	stream.linear.gather [hbm4b:s22+s3], $0x400, $0x38;
	[tilespmem:$0x7600] =	vst v63  }
0x49: {  	s21 =	sadd.s32 s30, s21;
	s31 =	spop (v2sf);
	(v2sf) =	vpush v10, $0x3  }
0x4a: {  	s21 =	sshrl.u32 s21, $0x3;
	s24 =	spop (v2sf);
	(v2sf) =	vpush v9, $0x3  }
0x4b: {  	s21 =	sadd.s32 s1, s21;
	s28 =	spop (v2sf);
	(v2sf) =	vpush v62, $0x3  }
0x4c: {  	[tilespmem:s12], [sflag:$0x1] =	stream.linear.gather [hbm4b:s21+s3], $0x200, $0x38;
	[tilespmem:$0x7600] =	vst v63  }
0x4d: {  	s26 =	sadd.s32 s2, s31;
	s21 =	sshll.u32 s31, $0x2  }
0x4e: {  	s25 =	rddreg [dreg:$0x7];
	s23 =	sadd.s32 s24, s26;
	s21 =	sadd.s32 s28, s21  }
0x4f: {  	[tilespmem:s25], [sflag:$0x1] =	stream.linear.gather [hbm4b:s23+s3], $0x400, $0x38;
	[tilespmem:$0x7600] =	vst v63  }
0x50: {  	s21 =	sshrl.u32 s21, $0x3  }
0x51: {  	s29 =	rddreg [dreg:$0x8];
	s21 =	sadd.s32 s1, s21  }
0x52: {  	[tilespmem:s29], [sflag:$0x1] =	stream.linear.gather [hbm4b:s21+s3], $0x200, $0x38;
	[tilespmem:$0x7600] =	vst v63  }
0x53: {  	s30 =	spop (v2sf);
	(v2sf) =	vpush v10, $0x4  }
0x54: {  	s26 =	spop (v2sf);
	(v2sf) =	vpush v9, $0x4  }
0x55: {  	s25 =	sadd.s32 s2, s30;
	s28 =	spop (v2sf);
	(v2sf) =	vpush v62, $0x4  }
0x56: {  	s31 =	rddreg [dreg:$0x9];
	s21 =	sshll.u32 s30, $0x2;
	s23 =	sadd.s32 s26, s25  }
0x57: {  	[tilespmem:s31], [sflag:$0x1] =	stream.linear.gather [hbm4b:s23+s3], $0x400, $0x38;
	[tilespmem:$0x7600] =	vst v63  }
0x58: {  	s21 =	sadd.s32 s28, s21;
	s30 =	spop (v2sf);
	(v2sf) =	vpush v10, $0x5  }
0x59: {  	s21 =	sshrl.u32 s21, $0x3;
	s26 =	spop (v2sf);
	(v2sf) =	vpush v9, $0x5  }
0x5a: {  	s29 =	rddreg [dreg:$0xa];
	s21 =	sadd.s32 s1, s21;
	s28 =	spop (v2sf);
	(v2sf) =	vpush v62, $0x5  }
0x5b: {  	[tilespmem:s29], [sflag:$0x1] =	stream.linear.gather [hbm4b:s21+s3], $0x200, $0x38;
	[tilespmem:$0x7600] =	vst v63  }
0x5c: {  	s25 =	sadd.s32 s2, s30;
	s21 =	sshll.u32 s30, $0x2  }
0x5d: {  	s31 =	rddreg [dreg:$0xb];
	s23 =	sadd.s32 s26, s25;
	s21 =	sadd.s32 s28, s21  }
0x5e: {  	[tilespmem:s31], [sflag:$0x1] =	stream.linear.gather [hbm4b:s23+s3], $0x400, $0x38;
	[tilespmem:$0x7600] =	vst v63  }
0x5f: {  	s21 =	sshrl.u32 s21, $0x3  }
0x60: {  	s29 =	rddreg [dreg:$0xc];
	s21 =	sadd.s32 s1, s21  }
0x61: {  	[tilespmem:s29], [sflag:$0x1] =	stream.linear.gather [hbm4b:s21+s3], $0x200, $0x38;
	[tilespmem:$0x7600] =	vst v63  }
0x62: {  	s30 =	spop (v2sf);
	(v2sf) =	vpush v10, $0x6  }
0x63: {  	s26 =	spop (v2sf);
	(v2sf) =	vpush v9, $0x6  }
0x64: {  	s25 =	sadd.s32 s2, s30;
	s28 =	spop (v2sf);
	(v2sf) =	vpush v62, $0x6  }
0x65: {  	s31 =	rddreg [dreg:$0xd];
	s21 =	sshll.u32 s30, $0x2;
	s23 =	sadd.s32 s26, s25  }
0x66: {  	[tilespmem:s31], [sflag:$0x1] =	stream.linear.gather [hbm4b:s23+s3], $0x400, $0x38;
	[tilespmem:$0x7600] =	vst v63  }
0x67: {  	s21 =	sadd.s32 s28, s21;
	s30 =	spop (v2sf);
	(v2sf) =	vpush v10, $0x7  }
0x68: {  	s21 =	sshrl.u32 s21, $0x3;
	s26 =	spop (v2sf);
	(v2sf) =	vpush v9, $0x7  }
0x69: {  	s29 =	rddreg [dreg:$0xe];
	s21 =	sadd.s32 s1, s21;
	s28 =	spop (v2sf);
	(v2sf) =	vpush v62, $0x7  }
0x6a: {  	[tilespmem:s29], [sflag:$0x1] =	stream.linear.gather [hbm4b:s21+s3], $0x200, $0x38;
	[tilespmem:$0x7600] =	vst v63  }
0x6b: {  	s25 =	sadd.s32 s2, s30;
	s21 =	sshll.u32 s30, $0x2  }
0x6c: {  	s31 =	rddreg [dreg:$0xf];
	s23 =	sadd.s32 s26, s25;
	s21 =	sadd.s32 s28, s21  }
0x6d: {  	[tilespmem:s31], [sflag:$0x1] =	stream.linear.gather [hbm4b:s23+s3], $0x400, $0x38;
	[tilespmem:$0x7600] =	vst v63  }
0x6e: {  	s21 =	sshrl.u32 s21, $0x3  }
0x6f: {  	s29 =	rddreg [dreg:$0x10];
	s21 =	sadd.s32 s1, s21  }
0x70: {  	[tilespmem:s29], [sflag:$0x1] =	stream.linear.gather [hbm4b:s21+s3], $0x200, $0x38;
	[tilespmem:$0x7600] =	vst v63  }
0x71: {  	s30 =	spop (v2sf);
	(v2sf) =	vpush v10, $0x8  }
0x72: {  	s26 =	spop (v2sf);
	(v2sf) =	vpush v9, $0x8  }
0x73: {  	s25 =	sadd.s32 s2, s30;
	s28 =	spop (v2sf);
	(v2sf) =	vpush v62, $0x8  }
0x74: {  	s31 =	rddreg [dreg:$0x11];
	s21 =	sshll.u32 s30, $0x2;
	s23 =	sadd.s32 s26, s25  }
0x75: {  	[tilespmem:s31], [sflag:$0x1] =	stream.linear.gather [hbm4b:s23+s3], $0x400, $0x38;
	[tilespmem:$0x7600] =	vst v63  }
0x76: {  	s21 =	sadd.s32 s28, s21;
	s30 =	spop (v2sf);
	(v2sf) =	vpush v10, $0x9  }
0x77: {  	s21 =	sshrl.u32 s21, $0x3;
	s26 =	spop (v2sf);
	(v2sf) =	vpush v9, $0x9  }
0x78: {  	s29 =	rddreg [dreg:$0x12];
	s21 =	sadd.s32 s1, s21;
	s28 =	spop (v2sf);
	(v2sf) =	vpush v62, $0x9  }
0x79: {  	[tilespmem:s29], [sflag:$0x1] =	stream.linear.gather [hbm4b:s21+s3], $0x200, $0x38;
	[tilespmem:$0x7600] =	vst v63  }
0x7a: {  	s25 =	sadd.s32 s2, s30;
	s21 =	sshll.u32 s30, $0x2  }
0x7b: {  	s31 =	rddreg [dreg:$0x13];
	s23 =	sadd.s32 s26, s25;
	s21 =	sadd.s32 s28, s21  }
0x7c: {  	[tilespmem:s31], [sflag:$0x1] =	stream.linear.gather [hbm4b:s23+s3], $0x400, $0x38;
	[tilespmem:$0x7600] =	vst v63  }
0x7d: {  	s21 =	sshrl.u32 s21, $0x3  }
0x7e: {  	s29 =	rddreg [dreg:$0x14];
	s21 =	sadd.s32 s1, s21  }
0x7f: {  	[tilespmem:s29], [sflag:$0x1] =	stream.linear.gather [hbm4b:s21+s3], $0x200, $0x38;
	[tilespmem:$0x7600] =	vst v63  }
0x80: {  	s30 =	spop (v2sf);
	(v2sf) =	vpush v10, $0xA  }
0x81: {  	s26 =	spop (v2sf);
	(v2sf) =	vpush v9, $0xA  }
0x82: {  	s25 =	sadd.s32 s2, s30;
	s28 =	spop (v2sf);
	(v2sf) =	vpush v62, $0xA  }
0x83: {  	s31 =	rddreg [dreg:$0x15];
	s21 =	sshll.u32 s30, $0x2;
	s23 =	sadd.s32 s26, s25  }
0x84: {  	[tilespmem:s31], [sflag:$0x1] =	stream.linear.gather [hbm4b:s23+s3], $0x400, $0x38;
	[tilespmem:$0x7600] =	vst v63  }
0x85: {  	s21 =	sadd.s32 s28, s21;
	s30 =	spop (v2sf);
	(v2sf) =	vpush v10, $0xB  }
0x86: {  	s21 =	sshrl.u32 s21, $0x3;
	s26 =	spop (v2sf);
	(v2sf) =	vpush v9, $0xB  }
0x87: {  	s29 =	rddreg [dreg:$0x16];
	s21 =	sadd.s32 s1, s21;
	s28 =	spop (v2sf);
	(v2sf) =	vpush v62, $0xB  }
0x88: {  	[tilespmem:s29], [sflag:$0x1] =	stream.linear.gather [hbm4b:s21+s3], $0x200, $0x38;
	[tilespmem:$0x7600] =	vst v63  }
0x89: {  	s25 =	sadd.s32 s2, s30;
	s21 =	sshll.u32 s30, $0x2  }
0x8a: {  	s31 =	rddreg [dreg:$0x17];
	s23 =	sadd.s32 s26, s25;
	s21 =	sadd.s32 s28, s21  }
0x8b: {  	[tilespmem:s31], [sflag:$0x1] =	stream.linear.gather [hbm4b:s23+s3], $0x400, $0x38;
	[tilespmem:$0x7600] =	vst v63  }
0x8c: {  	s21 =	sshrl.u32 s21, $0x3  }
0x8d: {  	s29 =	rddreg [dreg:$0x18];
	s21 =	sadd.s32 s1, s21  }
0x8e: {  	[tilespmem:s29], [sflag:$0x1] =	stream.linear.gather [hbm4b:s21+s3], $0x200, $0x38;
	[tilespmem:$0x7600] =	vst v63  }
0x8f: {  	s30 =	spop (v2sf);
	(v2sf) =	vpush v10, $0xC  }
0x90: {  	s26 =	spop (v2sf);
	(v2sf) =	vpush v9, $0xC  }
0x91: {  	s25 =	sadd.s32 s2, s30;
	s28 =	spop (v2sf);
	(v2sf) =	vpush v62, $0xC  }
0x92: {  	s31 =	rddreg [dreg:$0x19];
	s21 =	sshll.u32 s30, $0x2;
	s23 =	sadd.s32 s26, s25  }
0x93: {  	[tilespmem:s31], [sflag:$0x1] =	stream.linear.gather [hbm4b:s23+s3], $0x400, $0x38;
	[tilespmem:$0x7600] =	vst v63  }
0x94: {  	s21 =	sadd.s32 s28, s21;
	s30 =	spop (v2sf);
	(v2sf) =	vpush v10, $0xD  }
0x95: {  	s21 =	sshrl.u32 s21, $0x3;
	s26 =	spop (v2sf);
	(v2sf) =	vpush v9, $0xD  }
0x96: {  	s29 =	rddreg [dreg:$0x1a];
	s21 =	sadd.s32 s1, s21;
	s28 =	spop (v2sf);
	(v2sf) =	vpush v62, $0xD  }
0x97: {  	[tilespmem:s29], [sflag:$0x1] =	stream.linear.gather [hbm4b:s21+s3], $0x200, $0x38;
	[tilespmem:$0x7600] =	vst v63  }
0x98: {  	s25 =	sadd.s32 s2, s30;
	s21 =	sshll.u32 s30, $0x2  }
0x99: {  	s31 =	rddreg [dreg:$0x1b];
	s23 =	sadd.s32 s26, s25;
	s21 =	sadd.s32 s28, s21  }
0x9a: {  	[tilespmem:s31], [sflag:$0x1] =	stream.linear.gather [hbm4b:s23+s3], $0x400, $0x38;
	[tilespmem:$0x7600] =	vst v63  }
0x9b: {  	s21 =	sshrl.u32 s21, $0x3  }
0x9c: {  	s29 =	rddreg [dreg:$0x1c];
	s21 =	sadd.s32 s1, s21  }
0x9d: {  	[tilespmem:s29], [sflag:$0x1] =	stream.linear.gather [hbm4b:s21+s3], $0x200, $0x38;
	[tilespmem:$0x7600] =	vst v63  }
0x9e: {  	s30 =	spop (v2sf);
	(v2sf) =	vpush v10, $0xE  }
0x9f: {  	s26 =	spop (v2sf);
	(v2sf) =	vpush v9, $0xE  }
0xa0: {  	s25 =	sadd.s32 s2, s30;
	s28 =	spop (v2sf);
	(v2sf) =	vpush v62, $0xE  }
0xa1: {  	s31 =	rddreg [dreg:$0x1d];
	s21 =	sshll.u32 s30, $0x2;
	s23 =	sadd.s32 s26, s25  }
0xa2: {  	[tilespmem:s31], [sflag:$0x1] =	stream.linear.gather [hbm4b:s23+s3], $0x400, $0x38;
	[tilespmem:$0x7600] =	vst v63  }
0xa3: {  	s21 =	sadd.s32 s28, s21;
	s30 =	spop (v2sf);
	(v2sf) =	vpush v10, $0xF  }
0xa4: {  	s21 =	sshrl.u32 s21, $0x3;
	s26 =	spop (v2sf);
	(v2sf) =	vpush v9, $0xF  }
0xa5: {  	s29 =	rddreg [dreg:$0x1e];
	s21 =	sadd.s32 s1, s21;
	s28 =	spop (v2sf)  }
0xa6: {  	(v2sf) =	vpush v62, $0xF;
	[tilespmem:s29], [sflag:$0x1] =	stream.linear.gather [hbm4b:s21+s3], $0x200, $0x38;
	[tilespmem:$0x7600] =	vst v63  }
0xa7: {  	s31 =	rddreg [dreg:$0x1f];
	s25 =	sadd.s32 s2, s30;
	s21 =	sshll.u32 s30, $0x2  }
0xa8: {  	s23 =	sadd.s32 s26, s25;
	s29 =	sld [smem:$0x7F9];
	s21 =	sadd.s32 s28, s21  }
0xa9: {  	[tilespmem:s31], [sflag:$0x1] =	stream.linear.gather [hbm4b:s23+s3], $0x400, $0x38;
	[tilespmem:$0x7600] =	vst v63  }
0xaa: {  	s21 =	sshrl.u32 s21, $0x3  }
0xab: {  	s21 =	sadd.s32 s1, s21  }
0xac: {  	[tilespmem:s29], [sflag:$0x1] =	stream.linear.gather [hbm4b:s21+s3], $0x200, $0x38;
	[tilespmem:$0x7600] =	vst v63  }
0xad: {  	s31 =	sld [smem:$0x7FA];
	s30 =	spop (v2sf)  }
0xae: {  	s26 =	sadd.s32 s2, s30;
	s25 =	spop (v2sf)  }
0xaf: {  	s21 =	sshll.u32 s30, $0x2;
	s23 =	sadd.s32 s25, s26;
	s28 =	spop (v2sf)  }
0xb0: {  	[tilespmem:s31], [sflag:$0x1] =	stream.linear.gather [hbm4b:s23+s3], $0x400, $0x38;
	[tilespmem:$0x7600] =	vst v63  }
0xb1: {  	s29 =	sld [smem:$0x7FB];
	s21 =	sadd.s32 s28, s21  }
0xb2: {  	s30 =	spop (v2sf);
	s21 =	sshrl.u32 s21, $0x3  }
0xb3: {  	s31 =	sld [smem:$0x7FC];
	s25 =	spop (v2sf);
	s21 =	sadd.s32 s1, s21  }
0xb4: {  	[tilespmem:s29], [sflag:$0x1] =	stream.linear.gather [hbm4b:s21+s3], $0x200, $0x38;
	[tilespmem:$0x7600] =	vst v63  }
0xb5: {  	s26 =	sadd.s32 s2, s30;
	s28 =	spop (v2sf);
	s21 =	sshll.u32 s30, $0x2  }
0xb6: {  	s23 =	sadd.s32 s25, s26;
	s29 =	sld [smem:$0x7FD];
	s21 =	sadd.s32 s28, s21  }
0xb7: {  	[tilespmem:s31], [sflag:$0x1] =	stream.linear.gather [hbm4b:s23+s3], $0x400, $0x38;
	[tilespmem:$0x7600] =	vst v63  }
0xb8: {  	s21 =	sshrl.u32 s21, $0x3  }
0xb9: {  	s30 =	sand.u32 $0x70, s20;
	s31 =	sand.u32 $0xC00, s19;
	s21 =	sadd.s32 s1, s21  }
0xba: {  	v63 =	vcvt.s32.f32 v6;
	[tilespmem:s29], [sflag:$0x1] =	stream.linear.gather [hbm4b:s21+s3], $0x200, $0x38;
	[tilespmem:$0x7600] =	vst v63  }
0xbb: {  	v7 =	vcvt.s32.f32 v7;
	s21 =	sor.u32 s30, s31  }
0xbc: {  	[tilespmem:s21+$0x6600] =	vst v63  }
0xbd: {  	[tilespmem:s21+$0x6900] =	vst v7  }
0xbe: {  	_ =	swait.ge [sflag:s13], $0x400  }
0xbf: {  	[sflag:s13] =	ssyncset.done $0x0  }
0xc0: {  	[sflag:s13] =	ssyncadd.s32 $0xFFFFFC00  }
0xc1: {  	_ =	swait.ge [sflag:s13], $0x200  }
0xc2: {  	[sflag:s13] =	ssyncset.done $0x0  }
0xc3: {  	[sflag:s13] =	ssyncadd.s32 $0xFFFFFE00  }
0xc4: {  	_ =	swait.ge [sflag:s13], $0x400  }
0xc5: {  	[sflag:s13] =	ssyncset.done $0x0  }
0xc6: {  	[sflag:s13] =	ssyncadd.s32 $0xFFFFFC00  }
0xc7: {  	_ =	swait.ge [sflag:s13], $0x200  }
0xc8: {  	[sflag:s13] =	ssyncset.done $0x0  }
0xc9: {  	[sflag:s13] =	ssyncadd.s32 $0xFFFFFE00  }
0xca: {  	_ =	swait.ge [sflag:s13], $0x400  }
0xcb: {  	[sflag:s13] =	ssyncset.done $0x0  }
0xcc: {  	[sflag:s13] =	ssyncadd.s32 $0xFFFFFC00  }
0xcd: {  	_ =	swait.ge [sflag:s13], $0x200  }
0xce: {  	[sflag:s13] =	ssyncset.done $0x0  }
0xcf: {  	[sflag:s13] =	ssyncadd.s32 $0xFFFFFE00  }
0xd0: {  	_ =	swait.ge [sflag:s13], $0x400  }
0xd1: {  	[sflag:s13] =	ssyncset.done $0x0  }
0xd2: {  	[sflag:s13] =	ssyncadd.s32 $0xFFFFFC00  }
0xd3: {  	_ =	swait.ge [sflag:s13], $0x200  }
0xd4: {  	[sflag:s13] =	ssyncset.done $0x0  }
0xd5: {  	[sflag:s13] =	ssyncadd.s32 $0xFFFFFE00  }
0xd6: {  	_ =	swait.ge [sflag:s13], $0x400  }
0xd7: {  	[sflag:s13] =	ssyncset.done $0x0  }
0xd8: {  	[sflag:s13] =	ssyncadd.s32 $0xFFFFFC00  }
0xd9: {  	_ =	swait.ge [sflag:s13], $0x200  }
0xda: {  	[sflag:s13] =	ssyncset.done $0x0  }
0xdb: {  	[sflag:s13] =	ssyncadd.s32 $0xFFFFFE00  }
0xdc: {  	_ =	swait.ge [sflag:s13], $0x400  }
0xdd: {  	[sflag:s13] =	ssyncset.done $0x0  }
0xde: {  	[sflag:s13] =	ssyncadd.s32 $0xFFFFFC00  }
0xdf: {  	_ =	swait.ge [sflag:s13], $0x200  }
0xe0: {  	[sflag:s13] =	ssyncset.done $0x0  }
0xe1: {  	[sflag:s13] =	ssyncadd.s32 $0xFFFFFE00  }
0xe2: {  	_ =	swait.ge [sflag:s13], $0x400  }
0xe3: {  	[sflag:s13] =	ssyncset.done $0x0  }
0xe4: {  	[sflag:s13] =	ssyncadd.s32 $0xFFFFFC00  }
0xe5: {  	_ =	swait.ge [sflag:s13], $0x200  }
0xe6: {  	[sflag:s13] =	ssyncset.done $0x0  }
0xe7: {  	[sflag:s13] =	ssyncadd.s32 $0xFFFFFE00  }
0xe8: {  	_ =	swait.ge [sflag:s13], $0x400  }
0xe9: {  	[sflag:s13] =	ssyncset.done $0x0  }
0xea: {  	[sflag:s13] =	ssyncadd.s32 $0xFFFFFC00  }
0xeb: {  	_ =	swait.ge [sflag:s13], $0x200  }
0xec: {  	[sflag:s13] =	ssyncset.done $0x0  }
0xed: {  	[sflag:s13] =	ssyncadd.s32 $0xFFFFFE00  }
0xee: {  	_ =	swait.ge [sflag:s13], $0x400  }
0xef: {  	[sflag:s13] =	ssyncset.done $0x0  }
0xf0: {  	[sflag:s13] =	ssyncadd.s32 $0xFFFFFC00  }
0xf1: {  	_ =	swait.ge [sflag:s13], $0x200  }
0xf2: {  	[sflag:s13] =	ssyncset.done $0x0  }
0xf3: {  	[sflag:s13] =	ssyncadd.s32 $0xFFFFFE00  }
0xf4: {  	_ =	swait.ge [sflag:s13], $0x400  }
0xf5: {  	[sflag:s13] =	ssyncset.done $0x0  }
0xf6: {  	[sflag:s13] =	ssyncadd.s32 $0xFFFFFC00  }
0xf7: {  	_ =	swait.ge [sflag:s13], $0x200  }
0xf8: {  	[sflag:s13] =	ssyncset.done $0x0  }
0xf9: {  	[sflag:s13] =	ssyncadd.s32 $0xFFFFFE00  }
0xfa: {  	_ =	swait.ge [sflag:s13], $0x400  }
0xfb: {  	[sflag:s13] =	ssyncset.done $0x0  }
0xfc: {  	[sflag:s13] =	ssyncadd.s32 $0xFFFFFC00  }
0xfd: {  	_ =	swait.ge [sflag:s13], $0x200  }
0xfe: {  	[sflag:s13] =	ssyncset.done $0x0  }
0xff: {  	[sflag:s13] =	ssyncadd.s32 $0xFFFFFE00  }
0x100: {  	_ =	swait.ge [sflag:s13], $0x400  }
0x101: {  	[sflag:s13] =	ssyncset.done $0x0  }
0x102: {  	[sflag:s13] =	ssyncadd.s32 $0xFFFFFC00  }
0x103: {  	_ =	swait.ge [sflag:s13], $0x200  }
0x104: {  	[sflag:s13] =	ssyncset.done $0x0  }
0x105: {  	[sflag:s13] =	ssyncadd.s32 $0xFFFFFE00  }
0x106: {  	_ =	swait.ge [sflag:s13], $0x400  }
0x107: {  	[sflag:s13] =	ssyncset.done $0x0  }
0x108: {  	[sflag:s13] =	ssyncadd.s32 $0xFFFFFC00  }
0x109: {  	_ =	swait.ge [sflag:s13], $0x200  }
0x10a: {  	[sflag:s13] =	ssyncset.done $0x0  }
0x10b: {  	[sflag:s13] =	ssyncadd.s32 $0xFFFFFE00  }
0x10c: {  	_ =	swait.ge [sflag:s13], $0x400  }
0x10d: {  	[sflag:s13] =	ssyncset.done $0x0  }
0x10e: {  	[sflag:s13] =	ssyncadd.s32 $0xFFFFFC00  }
0x10f: {  	_ =	swait.ge [sflag:s13], $0x200  }
0x110: {  	[sflag:s13] =	ssyncset.done $0x0  }
0x111: {  	[sflag:s13] =	ssyncadd.s32 $0xFFFFFE00  }
0x112: {  	_ =	swait.ge [sflag:s13], $0x400  }
0x113: {  	[sflag:s13] =	ssyncset.done $0x0  }
0x114: {  	[sflag:s13] =	ssyncadd.s32 $0xFFFFFC00  }
0x115: {  	_ =	swait.ge [sflag:s13], $0x200  }
0x116: {  	v6 =	vshll.u32 v6, $0x7;
	[sflag:s13] =	ssyncset.done $0x0  }
0x117: {  	v5 =	vand.u32 $0x7F, v5;
	v6 =	vand.u32 $0x380, v6;
	[sflag:s13] =	ssyncadd.s32 $0xFFFFFE00  }
0x118: {  	v6 =	vor.u32 v5, v6;
	_ =	swait.ge [sflag:s13], $0x400  }
0x119: {  	v6 =	vor.u32 v1, v6;
	[sflag:s13] =	ssyncset.done $0x0  }
0x11a: {  	[sflag:s13] =	ssyncadd.s32 $0xFFFFFC00  }
0x11b: {  	_ =	swait.ge [sflag:s13], $0x200  }
0x11c: {  	[sflag:s13] =	ssyncset.done $0x0  }
0x11d: {  	[sflag:s13] =	ssyncadd.s32 $0xFFFFFE00  }
0x11e: {  	v6 =	vld.idx.msk [tilespmem:v6+s11+$0x0], $0xffff  }
0x11f: {  	v7 =	vor.u32 v0, v5;
	_ =	sdelay $0x3  }
0x120: {  	[tilespmem:s21+$0x6880] =	vst v6  }
0x121: {  	v6 =	vld.idx.msk [tilespmem:v7+s12+$0x0], $0xffff  }
0x122: {  	v7 =	vor.u32 v2, v5;
	_ =	sdelay $0x3  }
0x123: {  	[tilespmem:s21+$0x6680] =	vst v6  }
0x124: {  	v6 =	vld.idx.msk [tilespmem:v7+s12+$0x0], $0xffff  }
0x125: {  	v7 =	vor.u32 v3, v5;
	_ =	sdelay $0x3  }
0x126: {  	[tilespmem:s21+$0x6700] =	vst v6  }
0x127: {  	v6 =	vld.idx.msk [tilespmem:v7+s12+$0x0], $0xffff  }
0x128: {  	v5 =	vor.u32 v4, v5;
	_ =	sdelay $0x3  }
0x129: {  	[tilespmem:s21+$0x6780] =	vst v6  }
0x12a: {  	p0 =	sne.s32 s20, $0x1F0;
	v5 =	vld.idx.msk [tilespmem:v5+s12+$0x0], $0xffff  }
.Ltmp0:
0x12b: {  	_ = 	snop;
	(pc) =	sbr.rel @p0 .LBB2_2-.Ltmp0, $3  }
0x12c: {  	_ =	sdelay $0x1  }
0x12d: {  	s18 =	sadd.s32 $0x10, s18;
	s16 =	sadd.s32 $0x10, s16  }
0x12e: {  	s17 =	sadd.s32 $0x10, s17;
	s20 =	sadd.s32 $0x10, s20;
	s19 =	sadd.s32 $0x80, s19;
	[tilespmem:s21+$0x6800] =	vst v5  }
0x12f: {  	s15 =	sadd.s32 $0x1, s15  }
0x130: {  	p0 =	sne.s32 s15, s9  }
.Ltmp1:
0x131: {  	_ = 	snop;
	(pc) =	sbr.rel @p0 .LBB2_1-.Ltmp1, $4  }
0x132: {  	[hbm4b:s8+s3] =	stream.linear.scatter [tilespmem:s14], [sflag:$0x2], $0x1000, $0x38;
	[tilespmem:$0x7600] =	vst v63  }
0x133: {  	_ =	swait.ge [sflag:s10], $0x1000  }
0x134: {  	[sflag:s10] =	ssyncset.done $0x0  }
0x135: {  	[sflag:s10] =	ssyncadd.s32 $0xFFFFF000  }
0x136: {  	_ =	sfence.sel $0x180000  }
0x137: {  	[bflag:$0x0] =	sbarrier.arrive $0xFFFF  }
0x138: {  	p0 =	sne.s32 s4, $0x0;
	_ =	strace $0x90000047  }
0x139: {  	s0 =	sadd.s32 @!p0 $0x100000, s0;
	[bflag:$0x2] =	sbarrier.arrive $0xFFFF  }
0x13a: {  	[sflag:s0] =	ssyncadd.tile.s32 @!p0 $0x1;
	_ =	shalt  }
.Lfunc_end2:
_tile_overlayer_lowered:
.L_overlay_start_2:
0x13b: {  	(tag) =	ssettag $0x2  }
0x13c: {  	s0 =	rddreg [dreg:$0x0];
	s2 =	stileid.u32  }
0x13d: {  	s1 =	rddreg [dreg:$0x1];
	p0 =	sne.s32 s2, $0x0  }
0x13e: {  	s3 =	rddreg [dreg:$0x2];
	[bflag:$0x3] =	sbarrier.arrive $0xFFFF;
	s2 =	simm.s32 @!p0 $0x1C02  }
0x13f: {  	[timem:s3], [sflag:s2] =	dma.local @!p0 [hbm:s0], s1  }
0x140: {  	s0 =	simm.s32 @!p0 $0x2  }
0x141: {  	_ =	swait.ge @!p0 [sflag:s0], s1  }
0x142: {  	s1 =	ssub.s32 @!p0 $0x0, s1;
	[sflag:s0] =	ssyncset.done @!p0 $0x0  }
0x143: {  	[sflag:s0] =	ssyncadd.s32 @!p0 s1  }
0x144: {  	[bflag:$0x3] =	sbarrier.arrive $0xFFFF  }
0x145: {  	_ =	shalt  }

</sc_bundles>
